<compile_context>
chip_gen: v7x
topology: tpu7x:2x2x1
jax: 0.10.2.dev20260603
libtpu: 0.0.44.dev20260713+nightly
codegen_flags: <defaults>
</compile_context>

<pallas_src>
import functools

import jax
import jax.numpy as jnp
from jax import lax
from jax.experimental import pallas as pl
from jax.experimental.pallas import tpu as pltpu
from jax.experimental.pallas import tpu_sc as plsc

_STATIC = 26
_CONT = 13
_ED = 64
_BATCH = 16384
_NPAIR = _STATIC // 2
_OUTW = (_STATIC + _CONT) * _ED

_NC, _NS = 2, 16
_NW = _NC * _NS
_RPW = _BATCH // _NW
_C = 16
_NCHUNK = _RPW // _C


def _sc_body(si_ev_ref, si_od_ref, tab2_ref, cont_ref, out_ref,
             ev_v, od_v, pidx_v, gbuf, cbuf, sem):
    w = lax.axis_index("s") * _NC + lax.axis_index("c")
    base = w * _RPW
    pltpu.sync_copy(si_ev_ref.at[:, pl.ds(base, _RPW)], ev_v)
    pltpu.sync_copy(si_od_ref.at[:, pl.ds(base, _RPW)], od_v)

    def compute_pidx(g, carry):
        r0 = g * 16
        for k in range(_NPAIR):
            ev = ev_v[k, pl.ds(r0, 16)]
            od = od_v[k, pl.ds(r0, 16)]
            pidx_v[pl.ds(k * _RPW + r0, 16)] = ev * _STATIC + od
        return carry

    lax.fori_loop(0, _RPW // 16, compute_pidx, 0)

    def chunk(c, carry):
        r0 = c * _C
        copies = []
        for k in range(_NPAIR):
            copies.append(pltpu.async_copy(
                tab2_ref.at[pidx_v.at[pl.ds(k * _RPW + r0, _C)]],
                gbuf.at[k], sem))
        copies.append(pltpu.async_copy(
            cont_ref.at[pl.ds(base + r0, _C)], cbuf, sem))
        for cp in copies:
            cp.wait()
        copies = []
        for k in range(_NPAIR):
            copies.append(pltpu.async_copy(
                gbuf.at[k],
                out_ref.at[pl.ds(base + r0, _C), pl.ds(128 * k, 128)],
                sem))
        copies.append(pltpu.async_copy(
            cbuf,
            out_ref.at[pl.ds(base + r0, _C), pl.ds(_STATIC * _ED, _CONT * _ED)],
            sem))
        for cp in copies:
            cp.wait()
        return carry

    lax.fori_loop(0, _NCHUNK, chunk, 0)


_sc_gather = functools.partial(
    pl.kernel,
    out_type=jax.ShapeDtypeStruct((_BATCH, _OUTW), jnp.float32),
    mesh=plsc.VectorSubcoreMesh(
        core_axis_name="c", subcore_axis_name="s", num_cores=_NC, num_subcores=_NS),
    scratch_types=[
        pltpu.VMEM((_NPAIR, _RPW), jnp.int32),
        pltpu.VMEM((_NPAIR, _RPW), jnp.int32),
        pltpu.VMEM((_NPAIR * _RPW,), jnp.int32),
        pltpu.VMEM((_NPAIR, _C, 128), jnp.float32),
        pltpu.VMEM((_C, _CONT * _ED), jnp.float32),
        pltpu.SemaphoreType.DMA,
    ],
)(_sc_body)


_R = 256


def _tc_linear_body(ci_ref, wt_ref, b_ref, out_ref):
    out_ref[...] = (
        jnp.dot(ci_ref[...], wt_ref[...], preferred_element_type=jnp.float32)
        + b_ref[...])


def kernel(static_input, continuous_input, table, W, b):
    pr = jnp.arange(_STATIC * _STATIC, dtype=jnp.int32)
    tab2 = jnp.concatenate(
        [table[pr // _STATIC], table[pr % _STATIC]], axis=1)
    si_ev = static_input[:, 0::2].T
    si_od = static_input[:, 1::2].T
    wt = W.T
    b2 = b.reshape(1, _CONT * _ED)

    cont = pl.pallas_call(
        _tc_linear_body,
        grid=(_BATCH // _R,),
        in_specs=[
            pl.BlockSpec((_R, _CONT), lambda i: (i, 0)),
            pl.BlockSpec((_CONT, _CONT * _ED), lambda i: (0, 0)),
            pl.BlockSpec((1, _CONT * _ED), lambda i: (0, 0)),
        ],
        out_specs=pl.BlockSpec((_R, _CONT * _ED), lambda i: (i, 0)),
        out_shape=jax.ShapeDtypeStruct((_BATCH, _CONT * _ED), jnp.float32),
    )(continuous_input, wt, b2)

    out = _sc_gather(si_ev, si_od, tab2, cont)
    return out

# --- scband reference (transcript-rebuilt; emitter-appended) ---
"""Pipeline reference for scband-current-variables-block-19542101197523 (READ-ONLY COPY).

The authoritative reference and input builder live on the scoring server;
editing this copy changes nothing except your own understanding.
"""

import jax, jax.numpy as jnp
import numpy as np

STATIC_VARS = 26
CONT_VARS = 13
EMBED_DIM = 64
BATCH = 16384


def setup_inputs(seed: int = 0) -> dict:
    key = jax.random.key(seed)
    k1, k2, k3, k4, k5 = jax.random.split(key, 5)
    static_input = jax.random.randint(k1, (BATCH, STATIC_VARS), 0, STATIC_VARS, dtype=jnp.int32)
    continuous_input = jax.random.normal(k2, (BATCH, CONT_VARS), dtype=jnp.float32)
    # nn.Embedding(static_variables, embedding_dim): weight ~ N(0, 1)
    table = jax.random.normal(k3, (STATIC_VARS, EMBED_DIM), dtype=jnp.float32)
    # nn.Linear(continuous_variables, embedding_dim * continuous_variables)
    bound = 1.0 / np.sqrt(CONT_VARS)
    W = jax.random.uniform(k4, (EMBED_DIM * CONT_VARS, CONT_VARS), minval=-bound, maxval=bound, dtype=jnp.float32)
    b = jax.random.uniform(k5, (EMBED_DIM * CONT_VARS,), minval=-bound, maxval=bound, dtype=jnp.float32)
    return {"static_input": static_input, "continuous_input": continuous_input, "table": table, "W": W, "b": b}


def reference(static_input, continuous_input, table, W, b):
    # Static_variables_embedding: gather + flatten to [bs, static_variables * embedding_dim]
    static_embedding = jnp.take(table, static_input, axis=0).reshape(static_input.shape[0], STATIC_VARS * EMBED_DIM)
    # Linear on continuous features -> [bs, continuous_variables * embedding_dim]
    continuous_embedding = continuous_input @ W.T + b
    # Concatenate along the feature dim
    return jnp.concatenate([static_embedding, continuous_embedding], axis=-1)

if __name__ == "__main__":
    import jax
    _d = setup_inputs()
    print(jax.jit(kernel)(*tuple(_d.values())))

</pallas_src>

<mosaic_0001>
#map = affine_map<(d0, d1) -> (0, 0)>
module attributes {stable_mosaic.version = 14 : i64} {
  func.func @_sc_body(%arg0: i32, %arg1: i32, %arg2: memref<13x16384xi32, #tpu.memory_space<hbm>>, %arg3: memref<13x16384xi32, #tpu.memory_space<hbm>>, %arg4: memref<676x128xf32, #tpu.memory_space<hbm>>, %arg5: memref<16384x832xf32, #tpu.memory_space<hbm>>, %arg6: memref<16384x2496xf32, #tpu.memory_space<hbm>>, %arg7: memref<13x512xi32, #tpu.memory_space<vmem>>, %arg8: memref<13x512xi32, #tpu.memory_space<vmem>>, %arg9: memref<6656xi32, #tpu.memory_space<vmem>>, %arg10: memref<13x16x128xf32, #tpu.memory_space<vmem>>, %arg11: memref<16x832xf32, #tpu.memory_space<vmem>>, %arg12: memref<!tpu.dma_semaphore, #tpu.memory_space<semaphore_mem>>) attributes {dimension_semantics = [#tpu.dimension_semantics<core_parallel>, #tpu.dimension_semantics<subcore_parallel>], iteration_bounds = array<i64: 2, 16>, scalar_prefetch = 0 : i64, scratch_operands = 6 : i64, tpu.core_type = #tpu.core_type<sc_vector_subcore>, window_params = [{transform_indices = #map}, {transform_indices = #map}, {transform_indices = #map}, {transform_indices = #map}, {transform_indices = #map}]} {
    %mul3A = arith.constant 2 : i32
    %mul3A_0 = arith.muli %arg1, %mul3A : i32
    %add3A = arith.addi %mul3A_0, %arg0 : i32
    %mul3A_1 = arith.constant 512 : i32
    %mul3A_2 = arith.muli %add3A, %mul3A_1 : i32
    "tpu.region"() ({
      %run_scoped3A = tpu.sem_alloc : memref<!tpu.dma_semaphore, #tpu.memory_space<semaphore_mem>>
      %dma_start3A = arith.constant 0 : i32
      %dma_start3A_14 = tpu.memref_slice %arg2[%dma_start3A, %mul3A_2] : memref<13x16384xi32, #tpu.memory_space<hbm>> -> memref<13x512xi32, #tpu.memory_space<hbm>>
      %dma_start3A_15 = arith.constant 0 : i32
      %dma_start3A_16 = tpu.memref_slice %arg2[%dma_start3A_15, %mul3A_2] : memref<13x16384xi32, #tpu.memory_space<hbm>> -> memref<13x512xi32, #tpu.memory_space<hbm>>
      tpu.enqueue_dma source(%dma_start3A_16 : memref<13x512xi32, #tpu.memory_space<hbm>>) target(%arg7 : memref<13x512xi32, #tpu.memory_space<vmem>>) target_semaphore(%run_scoped3A : memref<!tpu.dma_semaphore, #tpu.memory_space<semaphore_mem>>)
      %dma_wait3A = arith.constant 0 : i32
      %dma_wait3A_17 = tpu.memref_slice %arg2[%dma_wait3A, %mul3A_2] : memref<13x16384xi32, #tpu.memory_space<hbm>> -> memref<13x512xi32, #tpu.memory_space<hbm>>
      %dma_wait3A_18 = arith.constant 0 : i32
      %dma_wait3A_19 = tpu.memref_slice %arg2[%dma_wait3A_18, %mul3A_2] : memref<13x16384xi32, #tpu.memory_space<hbm>> -> memref<13x512xi32, #tpu.memory_space<hbm>>
      tpu.wait_dma2 semaphore(%run_scoped3A : memref<!tpu.dma_semaphore, #tpu.memory_space<semaphore_mem>>) src(%dma_wait3A_19 : memref<13x512xi32, #tpu.memory_space<hbm>>) dst(%arg7 : memref<13x512xi32, #tpu.memory_space<vmem>>)
      tpu.yield
    }) : () -> ()
    "tpu.region"() ({
      %run_scoped3A = tpu.sem_alloc : memref<!tpu.dma_semaphore, #tpu.memory_space<semaphore_mem>>
      %dma_start3A = arith.constant 0 : i32
      %dma_start3A_14 = tpu.memref_slice %arg3[%dma_start3A, %mul3A_2] : memref<13x16384xi32, #tpu.memory_space<hbm>> -> memref<13x512xi32, #tpu.memory_space<hbm>>
      %dma_start3A_15 = arith.constant 0 : i32
      %dma_start3A_16 = tpu.memref_slice %arg3[%dma_start3A_15, %mul3A_2] : memref<13x16384xi32, #tpu.memory_space<hbm>> -> memref<13x512xi32, #tpu.memory_space<hbm>>
      tpu.enqueue_dma source(%dma_start3A_16 : memref<13x512xi32, #tpu.memory_space<hbm>>) target(%arg8 : memref<13x512xi32, #tpu.memory_space<vmem>>) target_semaphore(%run_scoped3A : memref<!tpu.dma_semaphore, #tpu.memory_space<semaphore_mem>>)
      %dma_wait3A = arith.constant 0 : i32
      %dma_wait3A_17 = tpu.memref_slice %arg3[%dma_wait3A, %mul3A_2] : memref<13x16384xi32, #tpu.memory_space<hbm>> -> memref<13x512xi32, #tpu.memory_space<hbm>>
      %dma_wait3A_18 = arith.constant 0 : i32
      %dma_wait3A_19 = tpu.memref_slice %arg3[%dma_wait3A_18, %mul3A_2] : memref<13x16384xi32, #tpu.memory_space<hbm>> -> memref<13x512xi32, #tpu.memory_space<hbm>>
      tpu.wait_dma2 semaphore(%run_scoped3A : memref<!tpu.dma_semaphore, #tpu.memory_space<semaphore_mem>>) src(%dma_wait3A_19 : memref<13x512xi32, #tpu.memory_space<hbm>>) dst(%arg8 : memref<13x512xi32, #tpu.memory_space<vmem>>)
      tpu.yield
    }) : () -> ()
    %scan3A = arith.constant 0 : i32
    %scan3A_3 = arith.constant 0 : i32
    %scan3A_4 = arith.constant 32 : i32
    %scan3A_5 = arith.addi %scan3A_3, %scan3A_4 : i32
    %scan3A_6 = arith.constant 1 : i32
    scf.for %scan3A_14 = %scan3A_3 to %scan3A_5 step %scan3A_6  : i32 {
      %mul3A_15 = arith.constant 16 : i32
      %mul3A_16 = arith.muli %scan3A_14, %mul3A_15 : i32
      %get3A = arith.constant 0 : i32
      %get3A_17 = arith.index_cast %get3A : i32 to index
      %get3A_18 = arith.index_cast %mul3A_16 : i32 to index
      %get3A_19 = tpu.vector_load %arg7[%get3A_17, %get3A_18] {strides = array<i32>} : memref<13x512xi32, #tpu.memory_space<vmem>>, vector<1x16xi32>,
      %get3A_20 = vector.shape_cast %get3A_19 : vector<1x16xi32> to vector<16xi32>
      %get3A_21 = arith.constant 0 : i32
      %get3A_22 = arith.index_cast %get3A_21 : i32 to index
      %get3A_23 = arith.index_cast %mul3A_16 : i32 to index
      %get3A_24 = tpu.vector_load %arg8[%get3A_22, %get3A_23] {strides = array<i32>} : memref<13x512xi32, #tpu.memory_space<vmem>>, vector<1x16xi32>,
      %get3A_25 = vector.shape_cast %get3A_24 : vector<1x16xi32> to vector<16xi32>
      %mul3A_26 = arith.constant 26 : i32
      %mul3A_27 = vector.broadcast %mul3A_26 : i32 to vector<16xi32>
      %mul3A_28 = arith.muli %get3A_20, %mul3A_27 : vector<16xi32>
      %add3A_29 = arith.addi %mul3A_28, %get3A_25 : vector<16xi32>
      %add3A_30 = arith.constant 0 : i32
      %add3A_31 = arith.addi %add3A_30, %mul3A_16 : i32
      %swap3A = arith.index_cast %add3A_31 : i32 to index
      %swap3A_32 = tpu.vector_load %arg9[%swap3A] {strides = array<i32>} : memref<6656xi32, #tpu.memory_space<vmem>>, vector<16xi32>,
      %swap3A_33 = vector.shape_cast %swap3A_32 : vector<16xi32> to vector<16xi32>
      %swap3A_34 = vector.shape_cast %add3A_29 : vector<16xi32> to vector<16xi32>
      tpu.vector_store %arg9[%swap3A], %swap3A_34 {strides = array<i32>} : memref<6656xi32, #tpu.memory_space<vmem>>, vector<16xi32>,
      %get3A_35 = arith.constant 1 : i32
      %get3A_36 = arith.index_cast %get3A_35 : i32 to index
      %get3A_37 = arith.index_cast %mul3A_16 : i32 to index
      %get3A_38 = tpu.vector_load %arg7[%get3A_36, %get3A_37] {strides = array<i32>} : memref<13x512xi32, #tpu.memory_space<vmem>>, vector<1x16xi32>,
      %get3A_39 = vector.shape_cast %get3A_38 : vector<1x16xi32> to vector<16xi32>
      %get3A_40 = arith.constant 1 : i32
      %get3A_41 = arith.index_cast %get3A_40 : i32 to index
      %get3A_42 = arith.index_cast %mul3A_16 : i32 to index
      %get3A_43 = tpu.vector_load %arg8[%get3A_41, %get3A_42] {strides = array<i32>} : memref<13x512xi32, #tpu.memory_space<vmem>>, vector<1x16xi32>,
      %get3A_44 = vector.shape_cast %get3A_43 : vector<1x16xi32> to vector<16xi32>
      %mul3A_45 = arith.constant 26 : i32
      %mul3A_46 = vector.broadcast %mul3A_45 : i32 to vector<16xi32>
      %mul3A_47 = arith.muli %get3A_39, %mul3A_46 : vector<16xi32>
      %add3A_48 = arith.addi %mul3A_47, %get3A_44 : vector<16xi32>
      %add3A_49 = arith.constant 512 : i32
      %add3A_50 = arith.addi %add3A_49, %mul3A_16 : i32
      %swap3A_51 = arith.index_cast %add3A_50 : i32 to index
      %swap3A_52 = tpu.vector_load %arg9[%swap3A_51] {strides = array<i32>} : memref<6656xi32, #tpu.memory_space<vmem>>, vector<16xi32>,
      %swap3A_53 = vector.shape_cast %swap3A_52 : vector<16xi32> to vector<16xi32>
      %swap3A_54 = vector.shape_cast %add3A_48 : vector<16xi32> to vector<16xi32>
      tpu.vector_store %arg9[%swap3A_51], %swap3A_54 {strides = array<i32>} : memref<6656xi32, #tpu.memory_space<vmem>>, vector<16xi32>,
      %get3A_55 = arith.constant 2 : i32
      %get3A_56 = arith.index_cast %get3A_55 : i32 to index
      %get3A_57 = arith.index_cast %mul3A_16 : i32 to index
      %get3A_58 = tpu.vector_load %arg7[%get3A_56, %get3A_57] {strides = array<i32>} : memref<13x512xi32, #tpu.memory_space<vmem>>, vector<1x16xi32>,
      %get3A_59 = vector.shape_cast %get3A_58 : vector<1x16xi32> to vector<16xi32>
      %get3A_60 = arith.constant 2 : i32
      %get3A_61 = arith.index_cast %get3A_60 : i32 to index
      %get3A_62 = arith.index_cast %mul3A_16 : i32 to index
      %get3A_63 = tpu.vector_load %arg8[%get3A_61, %get3A_62] {strides = array<i32>} : memref<13x512xi32, #tpu.memory_space<vmem>>, vector<1x16xi32>,
      %get3A_64 = vector.shape_cast %get3A_63 : vector<1x16xi32> to vector<16xi32>
      %mul3A_65 = arith.constant 26 : i32
      %mul3A_66 = vector.broadcast %mul3A_65 : i32 to vector<16xi32>
      %mul3A_67 = arith.muli %get3A_59, %mul3A_66 : vector<16xi32>
      %add3A_68 = arith.addi %mul3A_67, %get3A_64 : vector<16xi32>
      %add3A_69 = arith.constant 1024 : i32
      %add3A_70 = arith.addi %add3A_69, %mul3A_16 : i32
      %swap3A_71 = arith.index_cast %add3A_70 : i32 to index
      %swap3A_72 = tpu.vector_load %arg9[%swap3A_71] {strides = array<i32>} : memref<6656xi32, #tpu.memory_space<vmem>>, vector<16xi32>,
      %swap3A_73 = vector.shape_cast %swap3A_72 : vector<16xi32> to vector<16xi32>
      %swap3A_74 = vector.shape_cast %add3A_68 : vector<16xi32> to vector<16xi32>
      tpu.vector_store %arg9[%swap3A_71], %swap3A_74 {strides = array<i32>} : memref<6656xi32, #tpu.memory_space<vmem>>, vector<16xi32>,
      %get3A_75 = arith.constant 3 : i32
      %get3A_76 = arith.index_cast %get3A_75 : i32 to index
      %get3A_77 = arith.index_cast %mul3A_16 : i32 to index
      %get3A_78 = tpu.vector_load %arg7[%get3A_76, %get3A_77] {strides = array<i32>} : memref<13x512xi32, #tpu.memory_space<vmem>>, vector<1x16xi32>,
      %get3A_79 = vector.shape_cast %get3A_78 : vector<1x16xi32> to vector<16xi32>
      %get3A_80 = arith.constant 3 : i32
      %get3A_81 = arith.index_cast %get3A_80 : i32 to index
      %get3A_82 = arith.index_cast %mul3A_16 : i32 to index
      %get3A_83 = tpu.vector_load %arg8[%get3A_81, %get3A_82] {strides = array<i32>} : memref<13x512xi32, #tpu.memory_space<vmem>>, vector<1x16xi32>,
      %get3A_84 = vector.shape_cast %get3A_83 : vector<1x16xi32> to vector<16xi32>
      %mul3A_85 = arith.constant 26 : i32
      %mul3A_86 = vector.broadcast %mul3A_85 : i32 to vector<16xi32>
      %mul3A_87 = arith.muli %get3A_79, %mul3A_86 : vector<16xi32>
      %add3A_88 = arith.addi %mul3A_87, %get3A_84 : vector<16xi32>
      %add3A_89 = arith.constant 1536 : i32
      %add3A_90 = arith.addi %add3A_89, %mul3A_16 : i32
      %swap3A_91 = arith.index_cast %add3A_90 : i32 to index
      %swap3A_92 = tpu.vector_load %arg9[%swap3A_91] {strides = array<i32>} : memref<6656xi32, #tpu.memory_space<vmem>>, vector<16xi32>,
      %swap3A_93 = vector.shape_cast %swap3A_92 : vector<16xi32> to vector<16xi32>
      %swap3A_94 = vector.shape_cast %add3A_88 : vector<16xi32> to vector<16xi32>
      tpu.vector_store %arg9[%swap3A_91], %swap3A_94 {strides = array<i32>} : memref<6656xi32, #tpu.memory_space<vmem>>, vector<16xi32>,
      %get3A_95 = arith.constant 4 : i32
      %get3A_96 = arith.index_cast %get3A_95 : i32 to index
      %get3A_97 = arith.index_cast %mul3A_16 : i32 to index
      %get3A_98 = tpu.vector_load %arg7[%get3A_96, %get3A_97] {strides = array<i32>} : memref<13x512xi32, #tpu.memory_space<vmem>>, vector<1x16xi32>,
      %get3A_99 = vector.shape_cast %get3A_98 : vector<1x16xi32> to vector<16xi32>
      %get3A_100 = arith.constant 4 : i32
      %get3A_101 = arith.index_cast %get3A_100 : i32 to index
      %get3A_102 = arith.index_cast %mul3A_16 : i32 to index
      %get3A_103 = tpu.vector_load %arg8[%get3A_101, %get3A_102] {strides = array<i32>} : memref<13x512xi32, #tpu.memory_space<vmem>>, vector<1x16xi32>,
      %get3A_104 = vector.shape_cast %get3A_103 : vector<1x16xi32> to vector<16xi32>
      %mul3A_105 = arith.constant 26 : i32
      %mul3A_106 = vector.broadcast %mul3A_105 : i32 to vector<16xi32>
      %mul3A_107 = arith.muli %get3A_99, %mul3A_106 : vector<16xi32>
      %add3A_108 = arith.addi %mul3A_107, %get3A_104 : vector<16xi32>
      %add3A_109 = arith.constant 2048 : i32
      %add3A_110 = arith.addi %add3A_109, %mul3A_16 : i32
      %swap3A_111 = arith.index_cast %add3A_110 : i32 to index
      %swap3A_112 = tpu.vector_load %arg9[%swap3A_111] {strides = array<i32>} : memref<6656xi32, #tpu.memory_space<vmem>>, vector<16xi32>,
      %swap3A_113 = vector.shape_cast %swap3A_112 : vector<16xi32> to vector<16xi32>
      %swap3A_114 = vector.shape_cast %add3A_108 : vector<16xi32> to vector<16xi32>
      tpu.vector_store %arg9[%swap3A_111], %swap3A_114 {strides = array<i32>} : memref<6656xi32, #tpu.memory_space<vmem>>, vector<16xi32>,
      %get3A_115 = arith.constant 5 : i32
      %get3A_116 = arith.index_cast %get3A_115 : i32 to index
      %get3A_117 = arith.index_cast %mul3A_16 : i32 to index
      %get3A_118 = tpu.vector_load %arg7[%get3A_116, %get3A_117] {strides = array<i32>} : memref<13x512xi32, #tpu.memory_space<vmem>>, vector<1x16xi32>,
      %get3A_119 = vector.shape_cast %get3A_118 : vector<1x16xi32> to vector<16xi32>
      %get3A_120 = arith.constant 5 : i32
      %get3A_121 = arith.index_cast %get3A_120 : i32 to index
      %get3A_122 = arith.index_cast %mul3A_16 : i32 to index
      %get3A_123 = tpu.vector_load %arg8[%get3A_121, %get3A_122] {strides = array<i32>} : memref<13x512xi32, #tpu.memory_space<vmem>>, vector<1x16xi32>,
      %get3A_124 = vector.shape_cast %get3A_123 : vector<1x16xi32> to vector<16xi32>
      %mul3A_125 = arith.constant 26 : i32
      %mul3A_126 = vector.broadcast %mul3A_125 : i32 to vector<16xi32>
      %mul3A_127 = arith.muli %get3A_119, %mul3A_126 : vector<16xi32>
      %add3A_128 = arith.addi %mul3A_127, %get3A_124 : vector<16xi32>
      %add3A_129 = arith.constant 2560 : i32
      %add3A_130 = arith.addi %add3A_129, %mul3A_16 : i32
      %swap3A_131 = arith.index_cast %add3A_130 : i32 to index
      %swap3A_132 = tpu.vector_load %arg9[%swap3A_131] {strides = array<i32>} : memref<6656xi32, #tpu.memory_space<vmem>>, vector<16xi32>,
      %swap3A_133 = vector.shape_cast %swap3A_132 : vector<16xi32> to vector<16xi32>
      %swap3A_134 = vector.shape_cast %add3A_128 : vector<16xi32> to vector<16xi32>
      tpu.vector_store %arg9[%swap3A_131], %swap3A_134 {strides = array<i32>} : memref<6656xi32, #tpu.memory_space<vmem>>, vector<16xi32>,
      %get3A_135 = arith.constant 6 : i32
      %get3A_136 = arith.index_cast %get3A_135 : i32 to index
      %get3A_137 = arith.index_cast %mul3A_16 : i32 to index
      %get3A_138 = tpu.vector_load %arg7[%get3A_136, %get3A_137] {strides = array<i32>} : memref<13x512xi32, #tpu.memory_space<vmem>>, vector<1x16xi32>,
      %get3A_139 = vector.shape_cast %get3A_138 : vector<1x16xi32> to vector<16xi32>
      %get3A_140 = arith.constant 6 : i32
      %get3A_141 = arith.index_cast %get3A_140 : i32 to index
      %get3A_142 = arith.index_cast %mul3A_16 : i32 to index
      %get3A_143 = tpu.vector_load %arg8[%get3A_141, %get3A_142] {strides = array<i32>} : memref<13x512xi32, #tpu.memory_space<vmem>>, vector<1x16xi32>,
      %get3A_144 = vector.shape_cast %get3A_143 : vector<1x16xi32> to vector<16xi32>
      %mul3A_145 = arith.constant 26 : i32
      %mul3A_146 = vector.broadcast %mul3A_145 : i32 to vector<16xi32>
      %mul3A_147 = arith.muli %get3A_139, %mul3A_146 : vector<16xi32>
      %add3A_148 = arith.addi %mul3A_147, %get3A_144 : vector<16xi32>
      %add3A_149 = arith.constant 3072 : i32
      %add3A_150 = arith.addi %add3A_149, %mul3A_16 : i32
      %swap3A_151 = arith.index_cast %add3A_150 : i32 to index
      %swap3A_152 = tpu.vector_load %arg9[%swap3A_151] {strides = array<i32>} : memref<6656xi32, #tpu.memory_space<vmem>>, vector<16xi32>,
      %swap3A_153 = vector.shape_cast %swap3A_152 : vector<16xi32> to vector<16xi32>
      %swap3A_154 = vector.shape_cast %add3A_148 : vector<16xi32> to vector<16xi32>
      tpu.vector_store %arg9[%swap3A_151], %swap3A_154 {strides = array<i32>} : memref<6656xi32, #tpu.memory_space<vmem>>, vector<16xi32>,
      %get3A_155 = arith.constant 7 : i32
      %get3A_156 = arith.index_cast %get3A_155 : i32 to index
      %get3A_157 = arith.index_cast %mul3A_16 : i32 to index
      %get3A_158 = tpu.vector_load %arg7[%get3A_156, %get3A_157] {strides = array<i32>} : memref<13x512xi32, #tpu.memory_space<vmem>>, vector<1x16xi32>,
      %get3A_159 = vector.shape_cast %get3A_158 : vector<1x16xi32> to vector<16xi32>
      %get3A_160 = arith.constant 7 : i32
      %get3A_161 = arith.index_cast %get3A_160 : i32 to index
      %get3A_162 = arith.index_cast %mul3A_16 : i32 to index
      %get3A_163 = tpu.vector_load %arg8[%get3A_161, %get3A_162] {strides = array<i32>} : memref<13x512xi32, #tpu.memory_space<vmem>>, vector<1x16xi32>,
      %get3A_164 = vector.shape_cast %get3A_163 : vector<1x16xi32> to vector<16xi32>
      %mul3A_165 = arith.constant 26 : i32
      %mul3A_166 = vector.broadcast %mul3A_165 : i32 to vector<16xi32>
      %mul3A_167 = arith.muli %get3A_159, %mul3A_166 : vector<16xi32>
      %add3A_168 = arith.addi %mul3A_167, %get3A_164 : vector<16xi32>
      %add3A_169 = arith.constant 3584 : i32
      %add3A_170 = arith.addi %add3A_169, %mul3A_16 : i32
      %swap3A_171 = arith.index_cast %add3A_170 : i32 to index
      %swap3A_172 = tpu.vector_load %arg9[%swap3A_171] {strides = array<i32>} : memref<6656xi32, #tpu.memory_space<vmem>>, vector<16xi32>,
      %swap3A_173 = vector.shape_cast %swap3A_172 : vector<16xi32> to vector<16xi32>
      %swap3A_174 = vector.shape_cast %add3A_168 : vector<16xi32> to vector<16xi32>
      tpu.vector_store %arg9[%swap3A_171], %swap3A_174 {strides = array<i32>} : memref<6656xi32, #tpu.memory_space<vmem>>, vector<16xi32>,
      %get3A_175 = arith.constant 8 : i32
      %get3A_176 = arith.index_cast %get3A_175 : i32 to index
      %get3A_177 = arith.index_cast %mul3A_16 : i32 to index
      %get3A_178 = tpu.vector_load %arg7[%get3A_176, %get3A_177] {strides = array<i32>} : memref<13x512xi32, #tpu.memory_space<vmem>>, vector<1x16xi32>,
      %get3A_179 = vector.shape_cast %get3A_178 : vector<1x16xi32> to vector<16xi32>
      %get3A_180 = arith.constant 8 : i32
      %get3A_181 = arith.index_cast %get3A_180 : i32 to index
      %get3A_182 = arith.index_cast %mul3A_16 : i32 to index
      %get3A_183 = tpu.vector_load %arg8[%get3A_181, %get3A_182] {strides = array<i32>} : memref<13x512xi32, #tpu.memory_space<vmem>>, vector<1x16xi32>,
      %get3A_184 = vector.shape_cast %get3A_183 : vector<1x16xi32> to vector<16xi32>
      %mul3A_185 = arith.constant 26 : i32
      %mul3A_186 = vector.broadcast %mul3A_185 : i32 to vector<16xi32>
      %mul3A_187 = arith.muli %get3A_179, %mul3A_186 : vector<16xi32>
      %add3A_188 = arith.addi %mul3A_187, %get3A_184 : vector<16xi32>
      %add3A_189 = arith.constant 4096 : i32
      %add3A_190 = arith.addi %add3A_189, %mul3A_16 : i32
      %swap3A_191 = arith.index_cast %add3A_190 : i32 to index
      %swap3A_192 = tpu.vector_load %arg9[%swap3A_191] {strides = array<i32>} : memref<6656xi32, #tpu.memory_space<vmem>>, vector<16xi32>,
      %swap3A_193 = vector.shape_cast %swap3A_192 : vector<16xi32> to vector<16xi32>
      %swap3A_194 = vector.shape_cast %add3A_188 : vector<16xi32> to vector<16xi32>
      tpu.vector_store %arg9[%swap3A_191], %swap3A_194 {strides = array<i32>} : memref<6656xi32, #tpu.memory_space<vmem>>, vector<16xi32>,
      %get3A_195 = arith.constant 9 : i32
      %get3A_196 = arith.index_cast %get3A_195 : i32 to index
      %get3A_197 = arith.index_cast %mul3A_16 : i32 to index
      %get3A_198 = tpu.vector_load %arg7[%get3A_196, %get3A_197] {strides = array<i32>} : memref<13x512xi32, #tpu.memory_space<vmem>>, vector<1x16xi32>,
      %get3A_199 = vector.shape_cast %get3A_198 : vector<1x16xi32> to vector<16xi32>
      %get3A_200 = arith.constant 9 : i32
      %get3A_201 = arith.index_cast %get3A_200 : i32 to index
      %get3A_202 = arith.index_cast %mul3A_16 : i32 to index
      %get3A_203 = tpu.vector_load %arg8[%get3A_201, %get3A_202] {strides = array<i32>} : memref<13x512xi32, #tpu.memory_space<vmem>>, vector<1x16xi32>,
      %get3A_204 = vector.shape_cast %get3A_203 : vector<1x16xi32> to vector<16xi32>
      %mul3A_205 = arith.constant 26 : i32
      %mul3A_206 = vector.broadcast %mul3A_205 : i32 to vector<16xi32>
      %mul3A_207 = arith.muli %get3A_199, %mul3A_206 : vector<16xi32>
      %add3A_208 = arith.addi %mul3A_207, %get3A_204 : vector<16xi32>
      %add3A_209 = arith.constant 4608 : i32
      %add3A_210 = arith.addi %add3A_209, %mul3A_16 : i32
      %swap3A_211 = arith.index_cast %add3A_210 : i32 to index
      %swap3A_212 = tpu.vector_load %arg9[%swap3A_211] {strides = array<i32>} : memref<6656xi32, #tpu.memory_space<vmem>>, vector<16xi32>,
      %swap3A_213 = vector.shape_cast %swap3A_212 : vector<16xi32> to vector<16xi32>
      %swap3A_214 = vector.shape_cast %add3A_208 : vector<16xi32> to vector<16xi32>
      tpu.vector_store %arg9[%swap3A_211], %swap3A_214 {strides = array<i32>} : memref<6656xi32, #tpu.memory_space<vmem>>, vector<16xi32>,
      %get3A_215 = arith.constant 10 : i32
      %get3A_216 = arith.index_cast %get3A_215 : i32 to index
      %get3A_217 = arith.index_cast %mul3A_16 : i32 to index
      %get3A_218 = tpu.vector_load %arg7[%get3A_216, %get3A_217] {strides = array<i32>} : memref<13x512xi32, #tpu.memory_space<vmem>>, vector<1x16xi32>,
      %get3A_219 = vector.shape_cast %get3A_218 : vector<1x16xi32> to vector<16xi32>
      %get3A_220 = arith.constant 10 : i32
      %get3A_221 = arith.index_cast %get3A_220 : i32 to index
      %get3A_222 = arith.index_cast %mul3A_16 : i32 to index
      %get3A_223 = tpu.vector_load %arg8[%get3A_221, %get3A_222] {strides = array<i32>} : memref<13x512xi32, #tpu.memory_space<vmem>>, vector<1x16xi32>,
      %get3A_224 = vector.shape_cast %get3A_223 : vector<1x16xi32> to vector<16xi32>
      %mul3A_225 = arith.constant 26 : i32
      %mul3A_226 = vector.broadcast %mul3A_225 : i32 to vector<16xi32>
      %mul3A_227 = arith.muli %get3A_219, %mul3A_226 : vector<16xi32>
      %add3A_228 = arith.addi %mul3A_227, %get3A_224 : vector<16xi32>
      %add3A_229 = arith.constant 5120 : i32
      %add3A_230 = arith.addi %add3A_229, %mul3A_16 : i32
      %swap3A_231 = arith.index_cast %add3A_230 : i32 to index
      %swap3A_232 = tpu.vector_load %arg9[%swap3A_231] {strides = array<i32>} : memref<6656xi32, #tpu.memory_space<vmem>>, vector<16xi32>,
      %swap3A_233 = vector.shape_cast %swap3A_232 : vector<16xi32> to vector<16xi32>
      %swap3A_234 = vector.shape_cast %add3A_228 : vector<16xi32> to vector<16xi32>
      tpu.vector_store %arg9[%swap3A_231], %swap3A_234 {strides = array<i32>} : memref<6656xi32, #tpu.memory_space<vmem>>, vector<16xi32>,
      %get3A_235 = arith.constant 11 : i32
      %get3A_236 = arith.index_cast %get3A_235 : i32 to index
      %get3A_237 = arith.index_cast %mul3A_16 : i32 to index
      %get3A_238 = tpu.vector_load %arg7[%get3A_236, %get3A_237] {strides = array<i32>} : memref<13x512xi32, #tpu.memory_space<vmem>>, vector<1x16xi32>,
      %get3A_239 = vector.shape_cast %get3A_238 : vector<1x16xi32> to vector<16xi32>
      %get3A_240 = arith.constant 11 : i32
      %get3A_241 = arith.index_cast %get3A_240 : i32 to index
      %get3A_242 = arith.index_cast %mul3A_16 : i32 to index
      %get3A_243 = tpu.vector_load %arg8[%get3A_241, %get3A_242] {strides = array<i32>} : memref<13x512xi32, #tpu.memory_space<vmem>>, vector<1x16xi32>,
      %get3A_244 = vector.shape_cast %get3A_243 : vector<1x16xi32> to vector<16xi32>
      %mul3A_245 = arith.constant 26 : i32
      %mul3A_246 = vector.broadcast %mul3A_245 : i32 to vector<16xi32>
      %mul3A_247 = arith.muli %get3A_239, %mul3A_246 : vector<16xi32>
      %add3A_248 = arith.addi %mul3A_247, %get3A_244 : vector<16xi32>
      %add3A_249 = arith.constant 5632 : i32
      %add3A_250 = arith.addi %add3A_249, %mul3A_16 : i32
      %swap3A_251 = arith.index_cast %add3A_250 : i32 to index
      %swap3A_252 = tpu.vector_load %arg9[%swap3A_251] {strides = array<i32>} : memref<6656xi32, #tpu.memory_space<vmem>>, vector<16xi32>,
      %swap3A_253 = vector.shape_cast %swap3A_252 : vector<16xi32> to vector<16xi32>
      %swap3A_254 = vector.shape_cast %add3A_248 : vector<16xi32> to vector<16xi32>
      tpu.vector_store %arg9[%swap3A_251], %swap3A_254 {strides = array<i32>} : memref<6656xi32, #tpu.memory_space<vmem>>, vector<16xi32>,
      %get3A_255 = arith.constant 12 : i32
      %get3A_256 = arith.index_cast %get3A_255 : i32 to index
      %get3A_257 = arith.index_cast %mul3A_16 : i32 to index
      %get3A_258 = tpu.vector_load %arg7[%get3A_256, %get3A_257] {strides = array<i32>} : memref<13x512xi32, #tpu.memory_space<vmem>>, vector<1x16xi32>,
      %get3A_259 = vector.shape_cast %get3A_258 : vector<1x16xi32> to vector<16xi32>
      %get3A_260 = arith.constant 12 : i32
      %get3A_261 = arith.index_cast %get3A_260 : i32 to index
      %get3A_262 = arith.index_cast %mul3A_16 : i32 to index
      %get3A_263 = tpu.vector_load %arg8[%get3A_261, %get3A_262] {strides = array<i32>} : memref<13x512xi32, #tpu.memory_space<vmem>>, vector<1x16xi32>,
      %get3A_264 = vector.shape_cast %get3A_263 : vector<1x16xi32> to vector<16xi32>
      %mul3A_265 = arith.constant 26 : i32
      %mul3A_266 = vector.broadcast %mul3A_265 : i32 to vector<16xi32>
      %mul3A_267 = arith.muli %get3A_259, %mul3A_266 : vector<16xi32>
      %add3A_268 = arith.addi %mul3A_267, %get3A_264 : vector<16xi32>
      %add3A_269 = arith.constant 6144 : i32
      %add3A_270 = arith.addi %add3A_269, %mul3A_16 : i32
      %swap3A_271 = arith.index_cast %add3A_270 : i32 to index
      %swap3A_272 = tpu.vector_load %arg9[%swap3A_271] {strides = array<i32>} : memref<6656xi32, #tpu.memory_space<vmem>>, vector<16xi32>,
      %swap3A_273 = vector.shape_cast %swap3A_272 : vector<16xi32> to vector<16xi32>
      %swap3A_274 = vector.shape_cast %add3A_268 : vector<16xi32> to vector<16xi32>
      tpu.vector_store %arg9[%swap3A_271], %swap3A_274 {strides = array<i32>} : memref<6656xi32, #tpu.memory_space<vmem>>, vector<16xi32>,
    }
    %scan3A_7 = arith.constant 32 : i32
    %scan3A_8 = arith.constant 0 : i32
    %scan3A_9 = arith.constant 0 : i32
    %scan3A_10 = arith.constant 32 : i32
    %scan3A_11 = arith.addi %scan3A_9, %scan3A_10 : i32
    %scan3A_12 = arith.constant 1 : i32
    scf.for %scan3A_14 = %scan3A_9 to %scan3A_11 step %scan3A_12  : i32 {
      %mul3A_15 = arith.constant 16 : i32
      %mul3A_16 = arith.muli %scan3A_14, %mul3A_15 : i32
      %add3A_17 = arith.constant 0 : i32
      %add3A_18 = arith.addi %add3A_17, %mul3A_16 : i32
      %dma_start3A = arith.constant 0 : i32
      %dma_start3A_19 = arith.constant 0 : i32
      %dma_start3A_20 = arith.constant 0 : i32
      %dma_start3A_21 = tpu.memref_slice %arg10[%dma_start3A, %dma_start3A_19, %dma_start3A_20] : memref<13x16x128xf32, #tpu.memory_space<vmem>> -> memref<1x16x128xf32, #tpu.memory_space<vmem>>
      %dma_start3A_22 = tpu.memref_squeeze %dma_start3A_21 : memref<1x16x128xf32, #tpu.memory_space<vmem>> -> memref<16x128xf32, #tpu.memory_space<vmem>>
      %dma_start3A_23 = tpu.memref_slice %arg9[%add3A_18] : memref<6656xi32, #tpu.memory_space<vmem>> -> memref<16xi32, #tpu.memory_space<vmem>>
      %dma_start3A_24 = arith.constant 0 : i32
      %dma_start3A_25 = arith.constant 0 : i32
      %dma_start3A_26 = tpu.memref_slice %arg4[%dma_start3A_24, %dma_start3A_25] : memref<676x128xf32, #tpu.memory_space<hbm>> -> memref<676x128xf32, #tpu.memory_space<hbm>>
      tpu.enqueue_indirect_dma source(%dma_start3A_26 : memref<676x128xf32, #tpu.memory_space<hbm>>) target(%dma_start3A_22 : memref<16x128xf32, #tpu.memory_space<vmem>>) offsets(%dma_start3A_23 : memref<16xi32, #tpu.memory_space<vmem>>) semaphore(%arg12 : memref<!tpu.dma_semaphore, #tpu.memory_space<semaphore_mem>>)
      %add3A_27 = arith.constant 512 : i32
      %add3A_28 = arith.addi %add3A_27, %mul3A_16 : i32
      %dma_start3A_29 = arith.constant 1 : i32
      %dma_start3A_30 = arith.constant 0 : i32
      %dma_start3A_31 = arith.constant 0 : i32
      %dma_start3A_32 = tpu.memref_slice %arg10[%dma_start3A_29, %dma_start3A_30, %dma_start3A_31] : memref<13x16x128xf32, #tpu.memory_space<vmem>> -> memref<1x16x128xf32, #tpu.memory_space<vmem>>
      %dma_start3A_33 = tpu.memref_squeeze %dma_start3A_32 : memref<1x16x128xf32, #tpu.memory_space<vmem>> -> memref<16x128xf32, #tpu.memory_space<vmem>>
      %dma_start3A_34 = tpu.memref_slice %arg9[%add3A_28] : memref<6656xi32, #tpu.memory_space<vmem>> -> memref<16xi32, #tpu.memory_space<vmem>>
      %dma_start3A_35 = arith.constant 0 : i32
      %dma_start3A_36 = arith.constant 0 : i32
      %dma_start3A_37 = tpu.memref_slice %arg4[%dma_start3A_35, %dma_start3A_36] : memref<676x128xf32, #tpu.memory_space<hbm>> -> memref<676x128xf32, #tpu.memory_space<hbm>>
      tpu.enqueue_indirect_dma source(%dma_start3A_37 : memref<676x128xf32, #tpu.memory_space<hbm>>) target(%dma_start3A_33 : memref<16x128xf32, #tpu.memory_space<vmem>>) offsets(%dma_start3A_34 : memref<16xi32, #tpu.memory_space<vmem>>) semaphore(%arg12 : memref<!tpu.dma_semaphore, #tpu.memory_space<semaphore_mem>>)
      %add3A_38 = arith.constant 1024 : i32
      %add3A_39 = arith.addi %add3A_38, %mul3A_16 : i32
      %dma_start3A_40 = arith.constant 2 : i32
      %dma_start3A_41 = arith.constant 0 : i32
      %dma_start3A_42 = arith.constant 0 : i32
      %dma_start3A_43 = tpu.memref_slice %arg10[%dma_start3A_40, %dma_start3A_41, %dma_start3A_42] : memref<13x16x128xf32, #tpu.memory_space<vmem>> -> memref<1x16x128xf32, #tpu.memory_space<vmem>>
      %dma_start3A_44 = tpu.memref_squeeze %dma_start3A_43 : memref<1x16x128xf32, #tpu.memory_space<vmem>> -> memref<16x128xf32, #tpu.memory_space<vmem>>
      %dma_start3A_45 = tpu.memref_slice %arg9[%add3A_39] : memref<6656xi32, #tpu.memory_space<vmem>> -> memref<16xi32, #tpu.memory_space<vmem>>
      %dma_start3A_46 = arith.constant 0 : i32
      %dma_start3A_47 = arith.constant 0 : i32
      %dma_start3A_48 = tpu.memref_slice %arg4[%dma_start3A_46, %dma_start3A_47] : memref<676x128xf32, #tpu.memory_space<hbm>> -> memref<676x128xf32, #tpu.memory_space<hbm>>
      tpu.enqueue_indirect_dma source(%dma_start3A_48 : memref<676x128xf32, #tpu.memory_space<hbm>>) target(%dma_start3A_44 : memref<16x128xf32, #tpu.memory_space<vmem>>) offsets(%dma_start3A_45 : memref<16xi32, #tpu.memory_space<vmem>>) semaphore(%arg12 : memref<!tpu.dma_semaphore, #tpu.memory_space<semaphore_mem>>)
      %add3A_49 = arith.constant 1536 : i32
      %add3A_50 = arith.addi %add3A_49, %mul3A_16 : i32
      %dma_start3A_51 = arith.constant 3 : i32
      %dma_start3A_52 = arith.constant 0 : i32
      %dma_start3A_53 = arith.constant 0 : i32
      %dma_start3A_54 = tpu.memref_slice %arg10[%dma_start3A_51, %dma_start3A_52, %dma_start3A_53] : memref<13x16x128xf32, #tpu.memory_space<vmem>> -> memref<1x16x128xf32, #tpu.memory_space<vmem>>
      %dma_start3A_55 = tpu.memref_squeeze %dma_start3A_54 : memref<1x16x128xf32, #tpu.memory_space<vmem>> -> memref<16x128xf32, #tpu.memory_space<vmem>>
      %dma_start3A_56 = tpu.memref_slice %arg9[%add3A_50] : memref<6656xi32, #tpu.memory_space<vmem>> -> memref<16xi32, #tpu.memory_space<vmem>>
      %dma_start3A_57 = arith.constant 0 : i32
      %dma_start3A_58 = arith.constant 0 : i32
      %dma_start3A_59 = tpu.memref_slice %arg4[%dma_start3A_57, %dma_start3A_58] : memref<676x128xf32, #tpu.memory_space<hbm>> -> memref<676x128xf32, #tpu.memory_space<hbm>>
      tpu.enqueue_indirect_dma source(%dma_start3A_59 : memref<676x128xf32, #tpu.memory_space<hbm>>) target(%dma_start3A_55 : memref<16x128xf32, #tpu.memory_space<vmem>>) offsets(%dma_start3A_56 : memref<16xi32, #tpu.memory_space<vmem>>) semaphore(%arg12 : memref<!tpu.dma_semaphore, #tpu.memory_space<semaphore_mem>>)
      %add3A_60 = arith.constant 2048 : i32
      %add3A_61 = arith.addi %add3A_60, %mul3A_16 : i32
      %dma_start3A_62 = arith.constant 4 : i32
      %dma_start3A_63 = arith.constant 0 : i32
      %dma_start3A_64 = arith.constant 0 : i32
      %dma_start3A_65 = tpu.memref_slice %arg10[%dma_start3A_62, %dma_start3A_63, %dma_start3A_64] : memref<13x16x128xf32, #tpu.memory_space<vmem>> -> memref<1x16x128xf32, #tpu.memory_space<vmem>>
      %dma_start3A_66 = tpu.memref_squeeze %dma_start3A_65 : memref<1x16x128xf32, #tpu.memory_space<vmem>> -> memref<16x128xf32, #tpu.memory_space<vmem>>
      %dma_start3A_67 = tpu.memref_slice %arg9[%add3A_61] : memref<6656xi32, #tpu.memory_space<vmem>> -> memref<16xi32, #tpu.memory_space<vmem>>
      %dma_start3A_68 = arith.constant 0 : i32
      %dma_start3A_69 = arith.constant 0 : i32
      %dma_start3A_70 = tpu.memref_slice %arg4[%dma_start3A_68, %dma_start3A_69] : memref<676x128xf32, #tpu.memory_space<hbm>> -> memref<676x128xf32, #tpu.memory_space<hbm>>
      tpu.enqueue_indirect_dma source(%dma_start3A_70 : memref<676x128xf32, #tpu.memory_space<hbm>>) target(%dma_start3A_66 : memref<16x128xf32, #tpu.memory_space<vmem>>) offsets(%dma_start3A_67 : memref<16xi32, #tpu.memory_space<vmem>>) semaphore(%arg12 : memref<!tpu.dma_semaphore, #tpu.memory_space<semaphore_mem>>)
      %add3A_71 = arith.constant 2560 : i32
      %add3A_72 = arith.addi %add3A_71, %mul3A_16 : i32
      %dma_start3A_73 = arith.constant 5 : i32
      %dma_start3A_74 = arith.constant 0 : i32
      %dma_start3A_75 = arith.constant 0 : i32
      %dma_start3A_76 = tpu.memref_slice %arg10[%dma_start3A_73, %dma_start3A_74, %dma_start3A_75] : memref<13x16x128xf32, #tpu.memory_space<vmem>> -> memref<1x16x128xf32, #tpu.memory_space<vmem>>
      %dma_start3A_77 = tpu.memref_squeeze %dma_start3A_76 : memref<1x16x128xf32, #tpu.memory_space<vmem>> -> memref<16x128xf32, #tpu.memory_space<vmem>>
      %dma_start3A_78 = tpu.memref_slice %arg9[%add3A_72] : memref<6656xi32, #tpu.memory_space<vmem>> -> memref<16xi32, #tpu.memory_space<vmem>>
      %dma_start3A_79 = arith.constant 0 : i32
      %dma_start3A_80 = arith.constant 0 : i32
      %dma_start3A_81 = tpu.memref_slice %arg4[%dma_start3A_79, %dma_start3A_80] : memref<676x128xf32, #tpu.memory_space<hbm>> -> memref<676x128xf32, #tpu.memory_space<hbm>>
      tpu.enqueue_indirect_dma source(%dma_start3A_81 : memref<676x128xf32, #tpu.memory_space<hbm>>) target(%dma_start3A_77 : memref<16x128xf32, #tpu.memory_space<vmem>>) offsets(%dma_start3A_78 : memref<16xi32, #tpu.memory_space<vmem>>) semaphore(%arg12 : memref<!tpu.dma_semaphore, #tpu.memory_space<semaphore_mem>>)
      %add3A_82 = arith.constant 3072 : i32
      %add3A_83 = arith.addi %add3A_82, %mul3A_16 : i32
      %dma_start3A_84 = arith.constant 6 : i32
      %dma_start3A_85 = arith.constant 0 : i32
      %dma_start3A_86 = arith.constant 0 : i32
      %dma_start3A_87 = tpu.memref_slice %arg10[%dma_start3A_84, %dma_start3A_85, %dma_start3A_86] : memref<13x16x128xf32, #tpu.memory_space<vmem>> -> memref<1x16x128xf32, #tpu.memory_space<vmem>>
      %dma_start3A_88 = tpu.memref_squeeze %dma_start3A_87 : memref<1x16x128xf32, #tpu.memory_space<vmem>> -> memref<16x128xf32, #tpu.memory_space<vmem>>
      %dma_start3A_89 = tpu.memref_slice %arg9[%add3A_83] : memref<6656xi32, #tpu.memory_space<vmem>> -> memref<16xi32, #tpu.memory_space<vmem>>
      %dma_start3A_90 = arith.constant 0 : i32
      %dma_start3A_91 = arith.constant 0 : i32
      %dma_start3A_92 = tpu.memref_slice %arg4[%dma_start3A_90, %dma_start3A_91] : memref<676x128xf32, #tpu.memory_space<hbm>> -> memref<676x128xf32, #tpu.memory_space<hbm>>
      tpu.enqueue_indirect_dma source(%dma_start3A_92 : memref<676x128xf32, #tpu.memory_space<hbm>>) target(%dma_start3A_88 : memref<16x128xf32, #tpu.memory_space<vmem>>) offsets(%dma_start3A_89 : memref<16xi32, #tpu.memory_space<vmem>>) semaphore(%arg12 : memref<!tpu.dma_semaphore, #tpu.memory_space<semaphore_mem>>)
      %add3A_93 = arith.constant 3584 : i32
      %add3A_94 = arith.addi %add3A_93, %mul3A_16 : i32
      %dma_start3A_95 = arith.constant 7 : i32
      %dma_start3A_96 = arith.constant 0 : i32
      %dma_start3A_97 = arith.constant 0 : i32
      %dma_start3A_98 = tpu.memref_slice %arg10[%dma_start3A_95, %dma_start3A_96, %dma_start3A_97] : memref<13x16x128xf32, #tpu.memory_space<vmem>> -> memref<1x16x128xf32, #tpu.memory_space<vmem>>
      %dma_start3A_99 = tpu.memref_squeeze %dma_start3A_98 : memref<1x16x128xf32, #tpu.memory_space<vmem>> -> memref<16x128xf32, #tpu.memory_space<vmem>>
      %dma_start3A_100 = tpu.memref_slice %arg9[%add3A_94] : memref<6656xi32, #tpu.memory_space<vmem>> -> memref<16xi32, #tpu.memory_space<vmem>>
      %dma_start3A_101 = arith.constant 0 : i32
      %dma_start3A_102 = arith.constant 0 : i32
      %dma_start3A_103 = tpu.memref_slice %arg4[%dma_start3A_101, %dma_start3A_102] : memref<676x128xf32, #tpu.memory_space<hbm>> -> memref<676x128xf32, #tpu.memory_space<hbm>>
      tpu.enqueue_indirect_dma source(%dma_start3A_103 : memref<676x128xf32, #tpu.memory_space<hbm>>) target(%dma_start3A_99 : memref<16x128xf32, #tpu.memory_space<vmem>>) offsets(%dma_start3A_100 : memref<16xi32, #tpu.memory_space<vmem>>) semaphore(%arg12 : memref<!tpu.dma_semaphore, #tpu.memory_space<semaphore_mem>>)
      %add3A_104 = arith.constant 4096 : i32
      %add3A_105 = arith.addi %add3A_104, %mul3A_16 : i32
      %dma_start3A_106 = arith.constant 8 : i32
      %dma_start3A_107 = arith.constant 0 : i32
      %dma_start3A_108 = arith.constant 0 : i32
      %dma_start3A_109 = tpu.memref_slice %arg10[%dma_start3A_106, %dma_start3A_107, %dma_start3A_108] : memref<13x16x128xf32, #tpu.memory_space<vmem>> -> memref<1x16x128xf32, #tpu.memory_space<vmem>>
      %dma_start3A_110 = tpu.memref_squeeze %dma_start3A_109 : memref<1x16x128xf32, #tpu.memory_space<vmem>> -> memref<16x128xf32, #tpu.memory_space<vmem>>
      %dma_start3A_111 = tpu.memref_slice %arg9[%add3A_105] : memref<6656xi32, #tpu.memory_space<vmem>> -> memref<16xi32, #tpu.memory_space<vmem>>
      %dma_start3A_112 = arith.constant 0 : i32
      %dma_start3A_113 = arith.constant 0 : i32
      %dma_start3A_114 = tpu.memref_slice %arg4[%dma_start3A_112, %dma_start3A_113] : memref<676x128xf32, #tpu.memory_space<hbm>> -> memref<676x128xf32, #tpu.memory_space<hbm>>
      tpu.enqueue_indirect_dma source(%dma_start3A_114 : memref<676x128xf32, #tpu.memory_space<hbm>>) target(%dma_start3A_110 : memref<16x128xf32, #tpu.memory_space<vmem>>) offsets(%dma_start3A_111 : memref<16xi32, #tpu.memory_space<vmem>>) semaphore(%arg12 : memref<!tpu.dma_semaphore, #tpu.memory_space<semaphore_mem>>)
      %add3A_115 = arith.constant 4608 : i32
      %add3A_116 = arith.addi %add3A_115, %mul3A_16 : i32
      %dma_start3A_117 = arith.constant 9 : i32
      %dma_start3A_118 = arith.constant 0 : i32
      %dma_start3A_119 = arith.constant 0 : i32
      %dma_start3A_120 = tpu.memref_slice %arg10[%dma_start3A_117, %dma_start3A_118, %dma_start3A_119] : memref<13x16x128xf32, #tpu.memory_space<vmem>> -> memref<1x16x128xf32, #tpu.memory_space<vmem>>
      %dma_start3A_121 = tpu.memref_squeeze %dma_start3A_120 : memref<1x16x128xf32, #tpu.memory_space<vmem>> -> memref<16x128xf32, #tpu.memory_space<vmem>>
      %dma_start3A_122 = tpu.memref_slice %arg9[%add3A_116] : memref<6656xi32, #tpu.memory_space<vmem>> -> memref<16xi32, #tpu.memory_space<vmem>>
      %dma_start3A_123 = arith.constant 0 : i32
      %dma_start3A_124 = arith.constant 0 : i32
      %dma_start3A_125 = tpu.memref_slice %arg4[%dma_start3A_123, %dma_start3A_124] : memref<676x128xf32, #tpu.memory_space<hbm>> -> memref<676x128xf32, #tpu.memory_space<hbm>>
      tpu.enqueue_indirect_dma source(%dma_start3A_125 : memref<676x128xf32, #tpu.memory_space<hbm>>) target(%dma_start3A_121 : memref<16x128xf32, #tpu.memory_space<vmem>>) offsets(%dma_start3A_122 : memref<16xi32, #tpu.memory_space<vmem>>) semaphore(%arg12 : memref<!tpu.dma_semaphore, #tpu.memory_space<semaphore_mem>>)
      %add3A_126 = arith.constant 5120 : i32
      %add3A_127 = arith.addi %add3A_126, %mul3A_16 : i32
      %dma_start3A_128 = arith.constant 10 : i32
      %dma_start3A_129 = arith.constant 0 : i32
      %dma_start3A_130 = arith.constant 0 : i32
      %dma_start3A_131 = tpu.memref_slice %arg10[%dma_start3A_128, %dma_start3A_129, %dma_start3A_130] : memref<13x16x128xf32, #tpu.memory_space<vmem>> -> memref<1x16x128xf32, #tpu.memory_space<vmem>>
      %dma_start3A_132 = tpu.memref_squeeze %dma_start3A_131 : memref<1x16x128xf32, #tpu.memory_space<vmem>> -> memref<16x128xf32, #tpu.memory_space<vmem>>
      %dma_start3A_133 = tpu.memref_slice %arg9[%add3A_127] : memref<6656xi32, #tpu.memory_space<vmem>> -> memref<16xi32, #tpu.memory_space<vmem>>
      %dma_start3A_134 = arith.constant 0 : i32
      %dma_start3A_135 = arith.constant 0 : i32
      %dma_start3A_136 = tpu.memref_slice %arg4[%dma_start3A_134, %dma_start3A_135] : memref<676x128xf32, #tpu.memory_space<hbm>> -> memref<676x128xf32, #tpu.memory_space<hbm>>
      tpu.enqueue_indirect_dma source(%dma_start3A_136 : memref<676x128xf32, #tpu.memory_space<hbm>>) target(%dma_start3A_132 : memref<16x128xf32, #tpu.memory_space<vmem>>) offsets(%dma_start3A_133 : memref<16xi32, #tpu.memory_space<vmem>>) semaphore(%arg12 : memref<!tpu.dma_semaphore, #tpu.memory_space<semaphore_mem>>)
      %add3A_137 = arith.constant 5632 : i32
      %add3A_138 = arith.addi %add3A_137, %mul3A_16 : i32
      %dma_start3A_139 = arith.constant 11 : i32
      %dma_start3A_140 = arith.constant 0 : i32
      %dma_start3A_141 = arith.constant 0 : i32
      %dma_start3A_142 = tpu.memref_slice %arg10[%dma_start3A_139, %dma_start3A_140, %dma_start3A_141] : memref<13x16x128xf32, #tpu.memory_space<vmem>> -> memref<1x16x128xf32, #tpu.memory_space<vmem>>
      %dma_start3A_143 = tpu.memref_squeeze %dma_start3A_142 : memref<1x16x128xf32, #tpu.memory_space<vmem>> -> memref<16x128xf32, #tpu.memory_space<vmem>>
      %dma_start3A_144 = tpu.memref_slice %arg9[%add3A_138] : memref<6656xi32, #tpu.memory_space<vmem>> -> memref<16xi32, #tpu.memory_space<vmem>>
      %dma_start3A_145 = arith.constant 0 : i32
      %dma_start3A_146 = arith.constant 0 : i32
      %dma_start3A_147 = tpu.memref_slice %arg4[%dma_start3A_145, %dma_start3A_146] : memref<676x128xf32, #tpu.memory_space<hbm>> -> memref<676x128xf32, #tpu.memory_space<hbm>>
      tpu.enqueue_indirect_dma source(%dma_start3A_147 : memref<676x128xf32, #tpu.memory_space<hbm>>) target(%dma_start3A_143 : memref<16x128xf32, #tpu.memory_space<vmem>>) offsets(%dma_start3A_144 : memref<16xi32, #tpu.memory_space<vmem>>) semaphore(%arg12 : memref<!tpu.dma_semaphore, #tpu.memory_space<semaphore_mem>>)
      %add3A_148 = arith.constant 6144 : i32
      %add3A_149 = arith.addi %add3A_148, %mul3A_16 : i32
      %dma_start3A_150 = arith.constant 12 : i32
      %dma_start3A_151 = arith.constant 0 : i32
      %dma_start3A_152 = arith.constant 0 : i32
      %dma_start3A_153 = tpu.memref_slice %arg10[%dma_start3A_150, %dma_start3A_151, %dma_start3A_152] : memref<13x16x128xf32, #tpu.memory_space<vmem>> -> memref<1x16x128xf32, #tpu.memory_space<vmem>>
      %dma_start3A_154 = tpu.memref_squeeze %dma_start3A_153 : memref<1x16x128xf32, #tpu.memory_space<vmem>> -> memref<16x128xf32, #tpu.memory_space<vmem>>
      %dma_start3A_155 = tpu.memref_slice %arg9[%add3A_149] : memref<6656xi32, #tpu.memory_space<vmem>> -> memref<16xi32, #tpu.memory_space<vmem>>
      %dma_start3A_156 = arith.constant 0 : i32
      %dma_start3A_157 = arith.constant 0 : i32
      %dma_start3A_158 = tpu.memref_slice %arg4[%dma_start3A_156, %dma_start3A_157] : memref<676x128xf32, #tpu.memory_space<hbm>> -> memref<676x128xf32, #tpu.memory_space<hbm>>
      tpu.enqueue_indirect_dma source(%dma_start3A_158 : memref<676x128xf32, #tpu.memory_space<hbm>>) target(%dma_start3A_154 : memref<16x128xf32, #tpu.memory_space<vmem>>) offsets(%dma_start3A_155 : memref<16xi32, #tpu.memory_space<vmem>>) semaphore(%arg12 : memref<!tpu.dma_semaphore, #tpu.memory_space<semaphore_mem>>)
      %add3A_159 = arith.addi %mul3A_2, %mul3A_16 : i32
      %dma_start3A_160 = arith.constant 0 : i32
      %dma_start3A_161 = tpu.memref_slice %arg5[%add3A_159, %dma_start3A_160] : memref<16384x832xf32, #tpu.memory_space<hbm>> -> memref<16x832xf32, #tpu.memory_space<hbm>>
      %dma_start3A_162 = arith.constant 0 : i32
      %dma_start3A_163 = tpu.memref_slice %arg5[%add3A_159, %dma_start3A_162] : memref<16384x832xf32, #tpu.memory_space<hbm>> -> memref<16x832xf32, #tpu.memory_space<hbm>>
      tpu.enqueue_dma source(%dma_start3A_163 : memref<16x832xf32, #tpu.memory_space<hbm>>) target(%arg11 : memref<16x832xf32, #tpu.memory_space<vmem>>) target_semaphore(%arg12 : memref<!tpu.dma_semaphore, #tpu.memory_space<semaphore_mem>>)
      %dma_wait3A = arith.constant 0 : i32
      %dma_wait3A_164 = arith.constant 0 : i32
      %dma_wait3A_165 = arith.constant 0 : i32
      %dma_wait3A_166 = tpu.memref_slice %arg10[%dma_wait3A, %dma_wait3A_164, %dma_wait3A_165] : memref<13x16x128xf32, #tpu.memory_space<vmem>> -> memref<1x16x128xf32, #tpu.memory_space<vmem>>
      %dma_wait3A_167 = tpu.memref_squeeze %dma_wait3A_166 : memref<1x16x128xf32, #tpu.memory_space<vmem>> -> memref<16x128xf32, #tpu.memory_space<vmem>>
      %dma_wait3A_168 = tpu.memref_slice %arg9[%add3A_18] : memref<6656xi32, #tpu.memory_space<vmem>> -> memref<16xi32, #tpu.memory_space<vmem>>
      %dma_wait3A_169 = arith.constant 0 : i32
      %dma_wait3A_170 = arith.constant 0 : i32
      %dma_wait3A_171 = tpu.memref_slice %arg4[%dma_wait3A_169, %dma_wait3A_170] : memref<676x128xf32, #tpu.memory_space<hbm>> -> memref<676x128xf32, #tpu.memory_space<hbm>>
      tpu.wait_indirect_dma semaphore(%arg12 : memref<!tpu.dma_semaphore, #tpu.memory_space<semaphore_mem>>) src(%dma_wait3A_171 : memref<676x128xf32, #tpu.memory_space<hbm>>) dst(%dma_wait3A_167 : memref<16x128xf32, #tpu.memory_space<vmem>>)
      %dma_wait3A_172 = arith.constant 1 : i32
      %dma_wait3A_173 = arith.constant 0 : i32
      %dma_wait3A_174 = arith.constant 0 : i32
      %dma_wait3A_175 = tpu.memref_slice %arg10[%dma_wait3A_172, %dma_wait3A_173, %dma_wait3A_174] : memref<13x16x128xf32, #tpu.memory_space<vmem>> -> memref<1x16x128xf32, #tpu.memory_space<vmem>>
      %dma_wait3A_176 = tpu.memref_squeeze %dma_wait3A_175 : memref<1x16x128xf32, #tpu.memory_space<vmem>> -> memref<16x128xf32, #tpu.memory_space<vmem>>
      %dma_wait3A_177 = tpu.memref_slice %arg9[%add3A_28] : memref<6656xi32, #tpu.memory_space<vmem>> -> memref<16xi32, #tpu.memory_space<vmem>>
      %dma_wait3A_178 = arith.constant 0 : i32
      %dma_wait3A_179 = arith.constant 0 : i32
      %dma_wait3A_180 = tpu.memref_slice %arg4[%dma_wait3A_178, %dma_wait3A_179] : memref<676x128xf32, #tpu.memory_space<hbm>> -> memref<676x128xf32, #tpu.memory_space<hbm>>
      tpu.wait_indirect_dma semaphore(%arg12 : memref<!tpu.dma_semaphore, #tpu.memory_space<semaphore_mem>>) src(%dma_wait3A_180 : memref<676x128xf32, #tpu.memory_space<hbm>>) dst(%dma_wait3A_176 : memref<16x128xf32, #tpu.memory_space<vmem>>)
      %dma_wait3A_181 = arith.constant 2 : i32
      %dma_wait3A_182 = arith.constant 0 : i32
      %dma_wait3A_183 = arith.constant 0 : i32
      %dma_wait3A_184 = tpu.memref_slice %arg10[%dma_wait3A_181, %dma_wait3A_182, %dma_wait3A_183] : memref<13x16x128xf32, #tpu.memory_space<vmem>> -> memref<1x16x128xf32, #tpu.memory_space<vmem>>
      %dma_wait3A_185 = tpu.memref_squeeze %dma_wait3A_184 : memref<1x16x128xf32, #tpu.memory_space<vmem>> -> memref<16x128xf32, #tpu.memory_space<vmem>>
      %dma_wait3A_186 = tpu.memref_slice %arg9[%add3A_39] : memref<6656xi32, #tpu.memory_space<vmem>> -> memref<16xi32, #tpu.memory_space<vmem>>
      %dma_wait3A_187 = arith.constant 0 : i32
      %dma_wait3A_188 = arith.constant 0 : i32
      %dma_wait3A_189 = tpu.memref_slice %arg4[%dma_wait3A_187, %dma_wait3A_188] : memref<676x128xf32, #tpu.memory_space<hbm>> -> memref<676x128xf32, #tpu.memory_space<hbm>>
      tpu.wait_indirect_dma semaphore(%arg12 : memref<!tpu.dma_semaphore, #tpu.memory_space<semaphore_mem>>) src(%dma_wait3A_189 : memref<676x128xf32, #tpu.memory_space<hbm>>) dst(%dma_wait3A_185 : memref<16x128xf32, #tpu.memory_space<vmem>>)
      %dma_wait3A_190 = arith.constant 3 : i32
      %dma_wait3A_191 = arith.constant 0 : i32
      %dma_wait3A_192 = arith.constant 0 : i32
      %dma_wait3A_193 = tpu.memref_slice %arg10[%dma_wait3A_190, %dma_wait3A_191, %dma_wait3A_192] : memref<13x16x128xf32, #tpu.memory_space<vmem>> -> memref<1x16x128xf32, #tpu.memory_space<vmem>>
      %dma_wait3A_194 = tpu.memref_squeeze %dma_wait3A_193 : memref<1x16x128xf32, #tpu.memory_space<vmem>> -> memref<16x128xf32, #tpu.memory_space<vmem>>
      %dma_wait3A_195 = tpu.memref_slice %arg9[%add3A_50] : memref<6656xi32, #tpu.memory_space<vmem>> -> memref<16xi32, #tpu.memory_space<vmem>>
      %dma_wait3A_196 = arith.constant 0 : i32
      %dma_wait3A_197 = arith.constant 0 : i32
      %dma_wait3A_198 = tpu.memref_slice %arg4[%dma_wait3A_196, %dma_wait3A_197] : memref<676x128xf32, #tpu.memory_space<hbm>> -> memref<676x128xf32, #tpu.memory_space<hbm>>
      tpu.wait_indirect_dma semaphore(%arg12 : memref<!tpu.dma_semaphore, #tpu.memory_space<semaphore_mem>>) src(%dma_wait3A_198 : memref<676x128xf32, #tpu.memory_space<hbm>>) dst(%dma_wait3A_194 : memref<16x128xf32, #tpu.memory_space<vmem>>)
      %dma_wait3A_199 = arith.constant 4 : i32
      %dma_wait3A_200 = arith.constant 0 : i32
      %dma_wait3A_201 = arith.constant 0 : i32
      %dma_wait3A_202 = tpu.memref_slice %arg10[%dma_wait3A_199, %dma_wait3A_200, %dma_wait3A_201] : memref<13x16x128xf32, #tpu.memory_space<vmem>> -> memref<1x16x128xf32, #tpu.memory_space<vmem>>
      %dma_wait3A_203 = tpu.memref_squeeze %dma_wait3A_202 : memref<1x16x128xf32, #tpu.memory_space<vmem>> -> memref<16x128xf32, #tpu.memory_space<vmem>>
      %dma_wait3A_204 = tpu.memref_slice %arg9[%add3A_61] : memref<6656xi32, #tpu.memory_space<vmem>> -> memref<16xi32, #tpu.memory_space<vmem>>
      %dma_wait3A_205 = arith.constant 0 : i32
      %dma_wait3A_206 = arith.constant 0 : i32
      %dma_wait3A_207 = tpu.memref_slice %arg4[%dma_wait3A_205, %dma_wait3A_206] : memref<676x128xf32, #tpu.memory_space<hbm>> -> memref<676x128xf32, #tpu.memory_space<hbm>>
      tpu.wait_indirect_dma semaphore(%arg12 : memref<!tpu.dma_semaphore, #tpu.memory_space<semaphore_mem>>) src(%dma_wait3A_207 : memref<676x128xf32, #tpu.memory_space<hbm>>) dst(%dma_wait3A_203 : memref<16x128xf32, #tpu.memory_space<vmem>>)
      %dma_wait3A_208 = arith.constant 5 : i32
      %dma_wait3A_209 = arith.constant 0 : i32
      %dma_wait3A_210 = arith.constant 0 : i32
      %dma_wait3A_211 = tpu.memref_slice %arg10[%dma_wait3A_208, %dma_wait3A_209, %dma_wait3A_210] : memref<13x16x128xf32, #tpu.memory_space<vmem>> -> memref<1x16x128xf32, #tpu.memory_space<vmem>>
      %dma_wait3A_212 = tpu.memref_squeeze %dma_wait3A_211 : memref<1x16x128xf32, #tpu.memory_space<vmem>> -> memref<16x128xf32, #tpu.memory_space<vmem>>
      %dma_wait3A_213 = tpu.memref_slice %arg9[%add3A_72] : memref<6656xi32, #tpu.memory_space<vmem>> -> memref<16xi32, #tpu.memory_space<vmem>>
      %dma_wait3A_214 = arith.constant 0 : i32
      %dma_wait3A_215 = arith.constant 0 : i32
      %dma_wait3A_216 = tpu.memref_slice %arg4[%dma_wait3A_214, %dma_wait3A_215] : memref<676x128xf32, #tpu.memory_space<hbm>> -> memref<676x128xf32, #tpu.memory_space<hbm>>
      tpu.wait_indirect_dma semaphore(%arg12 : memref<!tpu.dma_semaphore, #tpu.memory_space<semaphore_mem>>) src(%dma_wait3A_216 : memref<676x128xf32, #tpu.memory_space<hbm>>) dst(%dma_wait3A_212 : memref<16x128xf32, #tpu.memory_space<vmem>>)
      %dma_wait3A_217 = arith.constant 6 : i32
      %dma_wait3A_218 = arith.constant 0 : i32
      %dma_wait3A_219 = arith.constant 0 : i32
      %dma_wait3A_220 = tpu.memref_slice %arg10[%dma_wait3A_217, %dma_wait3A_218, %dma_wait3A_219] : memref<13x16x128xf32, #tpu.memory_space<vmem>> -> memref<1x16x128xf32, #tpu.memory_space<vmem>>
      %dma_wait3A_221 = tpu.memref_squeeze %dma_wait3A_220 : memref<1x16x128xf32, #tpu.memory_space<vmem>> -> memref<16x128xf32, #tpu.memory_space<vmem>>
      %dma_wait3A_222 = tpu.memref_slice %arg9[%add3A_83] : memref<6656xi32, #tpu.memory_space<vmem>> -> memref<16xi32, #tpu.memory_space<vmem>>
      %dma_wait3A_223 = arith.constant 0 : i32
      %dma_wait3A_224 = arith.constant 0 : i32
      %dma_wait3A_225 = tpu.memref_slice %arg4[%dma_wait3A_223, %dma_wait3A_224] : memref<676x128xf32, #tpu.memory_space<hbm>> -> memref<676x128xf32, #tpu.memory_space<hbm>>
      tpu.wait_indirect_dma semaphore(%arg12 : memref<!tpu.dma_semaphore, #tpu.memory_space<semaphore_mem>>) src(%dma_wait3A_225 : memref<676x128xf32, #tpu.memory_space<hbm>>) dst(%dma_wait3A_221 : memref<16x128xf32, #tpu.memory_space<vmem>>)
      %dma_wait3A_226 = arith.constant 7 : i32
      %dma_wait3A_227 = arith.constant 0 : i32
      %dma_wait3A_228 = arith.constant 0 : i32
      %dma_wait3A_229 = tpu.memref_slice %arg10[%dma_wait3A_226, %dma_wait3A_227, %dma_wait3A_228] : memref<13x16x128xf32, #tpu.memory_space<vmem>> -> memref<1x16x128xf32, #tpu.memory_space<vmem>>
      %dma_wait3A_230 = tpu.memref_squeeze %dma_wait3A_229 : memref<1x16x128xf32, #tpu.memory_space<vmem>> -> memref<16x128xf32, #tpu.memory_space<vmem>>
      %dma_wait3A_231 = tpu.memref_slice %arg9[%add3A_94] : memref<6656xi32, #tpu.memory_space<vmem>> -> memref<16xi32, #tpu.memory_space<vmem>>
      %dma_wait3A_232 = arith.constant 0 : i32
      %dma_wait3A_233 = arith.constant 0 : i32
      %dma_wait3A_234 = tpu.memref_slice %arg4[%dma_wait3A_232, %dma_wait3A_233] : memref<676x128xf32, #tpu.memory_space<hbm>> -> memref<676x128xf32, #tpu.memory_space<hbm>>
      tpu.wait_indirect_dma semaphore(%arg12 : memref<!tpu.dma_semaphore, #tpu.memory_space<semaphore_mem>>) src(%dma_wait3A_234 : memref<676x128xf32, #tpu.memory_space<hbm>>) dst(%dma_wait3A_230 : memref<16x128xf32, #tpu.memory_space<vmem>>)
      %dma_wait3A_235 = arith.constant 8 : i32
      %dma_wait3A_236 = arith.constant 0 : i32
      %dma_wait3A_237 = arith.constant 0 : i32
      %dma_wait3A_238 = tpu.memref_slice %arg10[%dma_wait3A_235, %dma_wait3A_236, %dma_wait3A_237] : memref<13x16x128xf32, #tpu.memory_space<vmem>> -> memref<1x16x128xf32, #tpu.memory_space<vmem>>
      %dma_wait3A_239 = tpu.memref_squeeze %dma_wait3A_238 : memref<1x16x128xf32, #tpu.memory_space<vmem>> -> memref<16x128xf32, #tpu.memory_space<vmem>>
      %dma_wait3A_240 = tpu.memref_slice %arg9[%add3A_105] : memref<6656xi32, #tpu.memory_space<vmem>> -> memref<16xi32, #tpu.memory_space<vmem>>
      %dma_wait3A_241 = arith.constant 0 : i32
      %dma_wait3A_242 = arith.constant 0 : i32
      %dma_wait3A_243 = tpu.memref_slice %arg4[%dma_wait3A_241, %dma_wait3A_242] : memref<676x128xf32, #tpu.memory_space<hbm>> -> memref<676x128xf32, #tpu.memory_space<hbm>>
      tpu.wait_indirect_dma semaphore(%arg12 : memref<!tpu.dma_semaphore, #tpu.memory_space<semaphore_mem>>) src(%dma_wait3A_243 : memref<676x128xf32, #tpu.memory_space<hbm>>) dst(%dma_wait3A_239 : memref<16x128xf32, #tpu.memory_space<vmem>>)
      %dma_wait3A_244 = arith.constant 9 : i32
      %dma_wait3A_245 = arith.constant 0 : i32
      %dma_wait3A_246 = arith.constant 0 : i32
      %dma_wait3A_247 = tpu.memref_slice %arg10[%dma_wait3A_244, %dma_wait3A_245, %dma_wait3A_246] : memref<13x16x128xf32, #tpu.memory_space<vmem>> -> memref<1x16x128xf32, #tpu.memory_space<vmem>>
      %dma_wait3A_248 = tpu.memref_squeeze %dma_wait3A_247 : memref<1x16x128xf32, #tpu.memory_space<vmem>> -> memref<16x128xf32, #tpu.memory_space<vmem>>
      %dma_wait3A_249 = tpu.memref_slice %arg9[%add3A_116] : memref<6656xi32, #tpu.memory_space<vmem>> -> memref<16xi32, #tpu.memory_space<vmem>>
      %dma_wait3A_250 = arith.constant 0 : i32
      %dma_wait3A_251 = arith.constant 0 : i32
      %dma_wait3A_252 = tpu.memref_slice %arg4[%dma_wait3A_250, %dma_wait3A_251] : memref<676x128xf32, #tpu.memory_space<hbm>> -> memref<676x128xf32, #tpu.memory_space<hbm>>
      tpu.wait_indirect_dma semaphore(%arg12 : memref<!tpu.dma_semaphore, #tpu.memory_space<semaphore_mem>>) src(%dma_wait3A_252 : memref<676x128xf32, #tpu.memory_space<hbm>>) dst(%dma_wait3A_248 : memref<16x128xf32, #tpu.memory_space<vmem>>)
      %dma_wait3A_253 = arith.constant 10 : i32
      %dma_wait3A_254 = arith.constant 0 : i32
      %dma_wait3A_255 = arith.constant 0 : i32
      %dma_wait3A_256 = tpu.memref_slice %arg10[%dma_wait3A_253, %dma_wait3A_254, %dma_wait3A_255] : memref<13x16x128xf32, #tpu.memory_space<vmem>> -> memref<1x16x128xf32, #tpu.memory_space<vmem>>
      %dma_wait3A_257 = tpu.memref_squeeze %dma_wait3A_256 : memref<1x16x128xf32, #tpu.memory_space<vmem>> -> memref<16x128xf32, #tpu.memory_space<vmem>>
      %dma_wait3A_258 = tpu.memref_slice %arg9[%add3A_127] : memref<6656xi32, #tpu.memory_space<vmem>> -> memref<16xi32, #tpu.memory_space<vmem>>
      %dma_wait3A_259 = arith.constant 0 : i32
      %dma_wait3A_260 = arith.constant 0 : i32
      %dma_wait3A_261 = tpu.memref_slice %arg4[%dma_wait3A_259, %dma_wait3A_260] : memref<676x128xf32, #tpu.memory_space<hbm>> -> memref<676x128xf32, #tpu.memory_space<hbm>>
      tpu.wait_indirect_dma semaphore(%arg12 : memref<!tpu.dma_semaphore, #tpu.memory_space<semaphore_mem>>) src(%dma_wait3A_261 : memref<676x128xf32, #tpu.memory_space<hbm>>) dst(%dma_wait3A_257 : memref<16x128xf32, #tpu.memory_space<vmem>>)
      %dma_wait3A_262 = arith.constant 11 : i32
      %dma_wait3A_263 = arith.constant 0 : i32
      %dma_wait3A_264 = arith.constant 0 : i32
      %dma_wait3A_265 = tpu.memref_slice %arg10[%dma_wait3A_262, %dma_wait3A_263, %dma_wait3A_264] : memref<13x16x128xf32, #tpu.memory_space<vmem>> -> memref<1x16x128xf32, #tpu.memory_space<vmem>>
      %dma_wait3A_266 = tpu.memref_squeeze %dma_wait3A_265 : memref<1x16x128xf32, #tpu.memory_space<vmem>> -> memref<16x128xf32, #tpu.memory_space<vmem>>
      %dma_wait3A_267 = tpu.memref_slice %arg9[%add3A_138] : memref<6656xi32, #tpu.memory_space<vmem>> -> memref<16xi32, #tpu.memory_space<vmem>>
      %dma_wait3A_268 = arith.constant 0 : i32
      %dma_wait3A_269 = arith.constant 0 : i32
      %dma_wait3A_270 = tpu.memref_slice %arg4[%dma_wait3A_268, %dma_wait3A_269] : memref<676x128xf32, #tpu.memory_space<hbm>> -> memref<676x128xf32, #tpu.memory_space<hbm>>
      tpu.wait_indirect_dma semaphore(%arg12 : memref<!tpu.dma_semaphore, #tpu.memory_space<semaphore_mem>>) src(%dma_wait3A_270 : memref<676x128xf32, #tpu.memory_space<hbm>>) dst(%dma_wait3A_266 : memref<16x128xf32, #tpu.memory_space<vmem>>)
      %dma_wait3A_271 = arith.constant 12 : i32
      %dma_wait3A_272 = arith.constant 0 : i32
      %dma_wait3A_273 = arith.constant 0 : i32
      %dma_wait3A_274 = tpu.memref_slice %arg10[%dma_wait3A_271, %dma_wait3A_272, %dma_wait3A_273] : memref<13x16x128xf32, #tpu.memory_space<vmem>> -> memref<1x16x128xf32, #tpu.memory_space<vmem>>
      %dma_wait3A_275 = tpu.memref_squeeze %dma_wait3A_274 : memref<1x16x128xf32, #tpu.memory_space<vmem>> -> memref<16x128xf32, #tpu.memory_space<vmem>>
      %dma_wait3A_276 = tpu.memref_slice %arg9[%add3A_149] : memref<6656xi32, #tpu.memory_space<vmem>> -> memref<16xi32, #tpu.memory_space<vmem>>
      %dma_wait3A_277 = arith.constant 0 : i32
      %dma_wait3A_278 = arith.constant 0 : i32
      %dma_wait3A_279 = tpu.memref_slice %arg4[%dma_wait3A_277, %dma_wait3A_278] : memref<676x128xf32, #tpu.memory_space<hbm>> -> memref<676x128xf32, #tpu.memory_space<hbm>>
      tpu.wait_indirect_dma semaphore(%arg12 : memref<!tpu.dma_semaphore, #tpu.memory_space<semaphore_mem>>) src(%dma_wait3A_279 : memref<676x128xf32, #tpu.memory_space<hbm>>) dst(%dma_wait3A_275 : memref<16x128xf32, #tpu.memory_space<vmem>>)
      %dma_wait3A_280 = arith.constant 0 : i32
      %dma_wait3A_281 = tpu.memref_slice %arg5[%add3A_159, %dma_wait3A_280] : memref<16384x832xf32, #tpu.memory_space<hbm>> -> memref<16x832xf32, #tpu.memory_space<hbm>>
      %dma_wait3A_282 = arith.constant 0 : i32
      %dma_wait3A_283 = tpu.memref_slice %arg5[%add3A_159, %dma_wait3A_282] : memref<16384x832xf32, #tpu.memory_space<hbm>> -> memref<16x832xf32, #tpu.memory_space<hbm>>
      tpu.wait_dma2 semaphore(%arg12 : memref<!tpu.dma_semaphore, #tpu.memory_space<semaphore_mem>>) src(%dma_wait3A_283 : memref<16x832xf32, #tpu.memory_space<hbm>>) dst(%arg11 : memref<16x832xf32, #tpu.memory_space<vmem>>)
      %add3A_284 = arith.addi %mul3A_2, %mul3A_16 : i32
      %dma_start3A_285 = arith.constant 0 : i32
      %dma_start3A_286 = arith.constant 0 : i32
      %dma_start3A_287 = arith.constant 0 : i32
      %dma_start3A_288 = tpu.memref_slice %arg10[%dma_start3A_285, %dma_start3A_286, %dma_start3A_287] : memref<13x16x128xf32, #tpu.memory_space<vmem>> -> memref<1x16x128xf32, #tpu.memory_space<vmem>>
      %dma_start3A_289 = tpu.memref_squeeze %dma_start3A_288 : memref<1x16x128xf32, #tpu.memory_space<vmem>> -> memref<16x128xf32, #tpu.memory_space<vmem>>
      %dma_start3A_290 = arith.constant 0 : i32
      %dma_start3A_291 = tpu.memref_slice %arg6[%add3A_284, %dma_start3A_290] : memref<16384x2496xf32, #tpu.memory_space<hbm>> -> memref<16x128xf32, #tpu.memory_space<hbm>>
      %dma_start3A_292 = arith.constant 0 : i32
      %dma_start3A_293 = tpu.memref_slice %arg6[%add3A_284, %dma_start3A_292] : memref<16384x2496xf32, #tpu.memory_space<hbm>> -> memref<16x128xf32, #tpu.memory_space<hbm>>
      %dma_start3A_294 = arith.constant 0 : i32
      %dma_start3A_295 = arith.constant 0 : i32
      %dma_start3A_296 = tpu.memref_slice %arg10[%dma_start3A_285, %dma_start3A_294, %dma_start3A_295] : memref<13x16x128xf32, #tpu.memory_space<vmem>> -> memref<1x16x128xf32, #tpu.memory_space<vmem>>
      %dma_start3A_297 = tpu.memref_squeeze %dma_start3A_296 : memref<1x16x128xf32, #tpu.memory_space<vmem>> -> memref<16x128xf32, #tpu.memory_space<vmem>>
      tpu.enqueue_dma source(%dma_start3A_297 : memref<16x128xf32, #tpu.memory_space<vmem>>) target(%dma_start3A_293 : memref<16x128xf32, #tpu.memory_space<hbm>>) target_semaphore(%arg12 : memref<!tpu.dma_semaphore, #tpu.memory_space<semaphore_mem>>)
      %add3A_298 = arith.addi %mul3A_2, %mul3A_16 : i32
      %dma_start3A_299 = arith.constant 1 : i32
      %dma_start3A_300 = arith.constant 0 : i32
      %dma_start3A_301 = arith.constant 0 : i32
      %dma_start3A_302 = tpu.memref_slice %arg10[%dma_start3A_299, %dma_start3A_300, %dma_start3A_301] : memref<13x16x128xf32, #tpu.memory_space<vmem>> -> memref<1x16x128xf32, #tpu.memory_space<vmem>>
      %dma_start3A_303 = tpu.memref_squeeze %dma_start3A_302 : memref<1x16x128xf32, #tpu.memory_space<vmem>> -> memref<16x128xf32, #tpu.memory_space<vmem>>
      %dma_start3A_304 = arith.constant 128 : i32
      %dma_start3A_305 = tpu.memref_slice %arg6[%add3A_298, %dma_start3A_304] : memref<16384x2496xf32, #tpu.memory_space<hbm>> -> memref<16x128xf32, #tpu.memory_space<hbm>>
      %dma_start3A_306 = arith.constant 128 : i32
      %dma_start3A_307 = tpu.memref_slice %arg6[%add3A_298, %dma_start3A_306] : memref<16384x2496xf32, #tpu.memory_space<hbm>> -> memref<16x128xf32, #tpu.memory_space<hbm>>
      %dma_start3A_308 = arith.constant 0 : i32
      %dma_start3A_309 = arith.constant 0 : i32
      %dma_start3A_310 = tpu.memref_slice %arg10[%dma_start3A_299, %dma_start3A_308, %dma_start3A_309] : memref<13x16x128xf32, #tpu.memory_space<vmem>> -> memref<1x16x128xf32, #tpu.memory_space<vmem>>
      %dma_start3A_311 = tpu.memref_squeeze %dma_start3A_310 : memref<1x16x128xf32, #tpu.memory_space<vmem>> -> memref<16x128xf32, #tpu.memory_space<vmem>>
      tpu.enqueue_dma source(%dma_start3A_311 : memref<16x128xf32, #tpu.memory_space<vmem>>) target(%dma_start3A_307 : memref<16x128xf32, #tpu.memory_space<hbm>>) target_semaphore(%arg12 : memref<!tpu.dma_semaphore, #tpu.memory_space<semaphore_mem>>)
      %add3A_312 = arith.addi %mul3A_2, %mul3A_16 : i32
      %dma_start3A_313 = arith.constant 2 : i32
      %dma_start3A_314 = arith.constant 0 : i32
      %dma_start3A_315 = arith.constant 0 : i32
      %dma_start3A_316 = tpu.memref_slice %arg10[%dma_start3A_313, %dma_start3A_314, %dma_start3A_315] : memref<13x16x128xf32, #tpu.memory_space<vmem>> -> memref<1x16x128xf32, #tpu.memory_space<vmem>>
      %dma_start3A_317 = tpu.memref_squeeze %dma_start3A_316 : memref<1x16x128xf32, #tpu.memory_space<vmem>> -> memref<16x128xf32, #tpu.memory_space<vmem>>
      %dma_start3A_318 = arith.constant 256 : i32
      %dma_start3A_319 = tpu.memref_slice %arg6[%add3A_312, %dma_start3A_318] : memref<16384x2496xf32, #tpu.memory_space<hbm>> -> memref<16x128xf32, #tpu.memory_space<hbm>>
      %dma_start3A_320 = arith.constant 256 : i32
      %dma_start3A_321 = tpu.memref_slice %arg6[%add3A_312, %dma_start3A_320] : memref<16384x2496xf32, #tpu.memory_space<hbm>> -> memref<16x128xf32, #tpu.memory_space<hbm>>
      %dma_start3A_322 = arith.constant 0 : i32
      %dma_start3A_323 = arith.constant 0 : i32
      %dma_start3A_324 = tpu.memref_slice %arg10[%dma_start3A_313, %dma_start3A_322, %dma_start3A_323] : memref<13x16x128xf32, #tpu.memory_space<vmem>> -> memref<1x16x128xf32, #tpu.memory_space<vmem>>
      %dma_start3A_325 = tpu.memref_squeeze %dma_start3A_324 : memref<1x16x128xf32, #tpu.memory_space<vmem>> -> memref<16x128xf32, #tpu.memory_space<vmem>>
      tpu.enqueue_dma source(%dma_start3A_325 : memref<16x128xf32, #tpu.memory_space<vmem>>) target(%dma_start3A_321 : memref<16x128xf32, #tpu.memory_space<hbm>>) target_semaphore(%arg12 : memref<!tpu.dma_semaphore, #tpu.memory_space<semaphore_mem>>)
      %add3A_326 = arith.addi %mul3A_2, %mul3A_16 : i32
      %dma_start3A_327 = arith.constant 3 : i32
      %dma_start3A_328 = arith.constant 0 : i32
      %dma_start3A_329 = arith.constant 0 : i32
      %dma_start3A_330 = tpu.memref_slice %arg10[%dma_start3A_327, %dma_start3A_328, %dma_start3A_329] : memref<13x16x128xf32, #tpu.memory_space<vmem>> -> memref<1x16x128xf32, #tpu.memory_space<vmem>>
      %dma_start3A_331 = tpu.memref_squeeze %dma_start3A_330 : memref<1x16x128xf32, #tpu.memory_space<vmem>> -> memref<16x128xf32, #tpu.memory_space<vmem>>
      %dma_start3A_332 = arith.constant 384 : i32
      %dma_start3A_333 = tpu.memref_slice %arg6[%add3A_326, %dma_start3A_332] : memref<16384x2496xf32, #tpu.memory_space<hbm>> -> memref<16x128xf32, #tpu.memory_space<hbm>>
      %dma_start3A_334 = arith.constant 384 : i32
      %dma_start3A_335 = tpu.memref_slice %arg6[%add3A_326, %dma_start3A_334] : memref<16384x2496xf32, #tpu.memory_space<hbm>> -> memref<16x128xf32, #tpu.memory_space<hbm>>
      %dma_start3A_336 = arith.constant 0 : i32
      %dma_start3A_337 = arith.constant 0 : i32
      %dma_start3A_338 = tpu.memref_slice %arg10[%dma_start3A_327, %dma_start3A_336, %dma_start3A_337] : memref<13x16x128xf32, #tpu.memory_space<vmem>> -> memref<1x16x128xf32, #tpu.memory_space<vmem>>
      %dma_start3A_339 = tpu.memref_squeeze %dma_start3A_338 : memref<1x16x128xf32, #tpu.memory_space<vmem>> -> memref<16x128xf32, #tpu.memory_space<vmem>>
      tpu.enqueue_dma source(%dma_start3A_339 : memref<16x128xf32, #tpu.memory_space<vmem>>) target(%dma_start3A_335 : memref<16x128xf32, #tpu.memory_space<hbm>>) target_semaphore(%arg12 : memref<!tpu.dma_semaphore, #tpu.memory_space<semaphore_mem>>)
      %add3A_340 = arith.addi %mul3A_2, %mul3A_16 : i32
      %dma_start3A_341 = arith.constant 4 : i32
      %dma_start3A_342 = arith.constant 0 : i32
      %dma_start3A_343 = arith.constant 0 : i32
      %dma_start3A_344 = tpu.memref_slice %arg10[%dma_start3A_341, %dma_start3A_342, %dma_start3A_343] : memref<13x16x128xf32, #tpu.memory_space<vmem>> -> memref<1x16x128xf32, #tpu.memory_space<vmem>>
      %dma_start3A_345 = tpu.memref_squeeze %dma_start3A_344 : memref<1x16x128xf32, #tpu.memory_space<vmem>> -> memref<16x128xf32, #tpu.memory_space<vmem>>
      %dma_start3A_346 = arith.constant 512 : i32
      %dma_start3A_347 = tpu.memref_slice %arg6[%add3A_340, %dma_start3A_346] : memref<16384x2496xf32, #tpu.memory_space<hbm>> -> memref<16x128xf32, #tpu.memory_space<hbm>>
      %dma_start3A_348 = arith.constant 512 : i32
      %dma_start3A_349 = tpu.memref_slice %arg6[%add3A_340, %dma_start3A_348] : memref<16384x2496xf32, #tpu.memory_space<hbm>> -> memref<16x128xf32, #tpu.memory_space<hbm>>
      %dma_start3A_350 = arith.constant 0 : i32
      %dma_start3A_351 = arith.constant 0 : i32
      %dma_start3A_352 = tpu.memref_slice %arg10[%dma_start3A_341, %dma_start3A_350, %dma_start3A_351] : memref<13x16x128xf32, #tpu.memory_space<vmem>> -> memref<1x16x128xf32, #tpu.memory_space<vmem>>
      %dma_start3A_353 = tpu.memref_squeeze %dma_start3A_352 : memref<1x16x128xf32, #tpu.memory_space<vmem>> -> memref<16x128xf32, #tpu.memory_space<vmem>>
      tpu.enqueue_dma source(%dma_start3A_353 : memref<16x128xf32, #tpu.memory_space<vmem>>) target(%dma_start3A_349 : memref<16x128xf32, #tpu.memory_space<hbm>>) target_semaphore(%arg12 : memref<!tpu.dma_semaphore, #tpu.memory_space<semaphore_mem>>)
      %add3A_354 = arith.addi %mul3A_2, %mul3A_16 : i32
      %dma_start3A_355 = arith.constant 5 : i32
      %dma_start3A_356 = arith.constant 0 : i32
      %dma_start3A_357 = arith.constant 0 : i32
      %dma_start3A_358 = tpu.memref_slice %arg10[%dma_start3A_355, %dma_start3A_356, %dma_start3A_357] : memref<13x16x128xf32, #tpu.memory_space<vmem>> -> memref<1x16x128xf32, #tpu.memory_space<vmem>>
      %dma_start3A_359 = tpu.memref_squeeze %dma_start3A_358 : memref<1x16x128xf32, #tpu.memory_space<vmem>> -> memref<16x128xf32, #tpu.memory_space<vmem>>
      %dma_start3A_360 = arith.constant 640 : i32
      %dma_start3A_361 = tpu.memref_slice %arg6[%add3A_354, %dma_start3A_360] : memref<16384x2496xf32, #tpu.memory_space<hbm>> -> memref<16x128xf32, #tpu.memory_space<hbm>>
      %dma_start3A_362 = arith.constant 640 : i32
      %dma_start3A_363 = tpu.memref_slice %arg6[%add3A_354, %dma_start3A_362] : memref<16384x2496xf32, #tpu.memory_space<hbm>> -> memref<16x128xf32, #tpu.memory_space<hbm>>
      %dma_start3A_364 = arith.constant 0 : i32
      %dma_start3A_365 = arith.constant 0 : i32
      %dma_start3A_366 = tpu.memref_slice %arg10[%dma_start3A_355, %dma_start3A_364, %dma_start3A_365] : memref<13x16x128xf32, #tpu.memory_space<vmem>> -> memref<1x16x128xf32, #tpu.memory_space<vmem>>
      %dma_start3A_367 = tpu.memref_squeeze %dma_start3A_366 : memref<1x16x128xf32, #tpu.memory_space<vmem>> -> memref<16x128xf32, #tpu.memory_space<vmem>>
      tpu.enqueue_dma source(%dma_start3A_367 : memref<16x128xf32, #tpu.memory_space<vmem>>) target(%dma_start3A_363 : memref<16x128xf32, #tpu.memory_space<hbm>>) target_semaphore(%arg12 : memref<!tpu.dma_semaphore, #tpu.memory_space<semaphore_mem>>)
      %add3A_368 = arith.addi %mul3A_2, %mul3A_16 : i32
      %dma_start3A_369 = arith.constant 6 : i32
      %dma_start3A_370 = arith.constant 0 : i32
      %dma_start3A_371 = arith.constant 0 : i32
      %dma_start3A_372 = tpu.memref_slice %arg10[%dma_start3A_369, %dma_start3A_370, %dma_start3A_371] : memref<13x16x128xf32, #tpu.memory_space<vmem>> -> memref<1x16x128xf32, #tpu.memory_space<vmem>>
      %dma_start3A_373 = tpu.memref_squeeze %dma_start3A_372 : memref<1x16x128xf32, #tpu.memory_space<vmem>> -> memref<16x128xf32, #tpu.memory_space<vmem>>
      %dma_start3A_374 = arith.constant 768 : i32
      %dma_start3A_375 = tpu.memref_slice %arg6[%add3A_368, %dma_start3A_374] : memref<16384x2496xf32, #tpu.memory_space<hbm>> -> memref<16x128xf32, #tpu.memory_space<hbm>>
      %dma_start3A_376 = arith.constant 768 : i32
      %dma_start3A_377 = tpu.memref_slice %arg6[%add3A_368, %dma_start3A_376] : memref<16384x2496xf32, #tpu.memory_space<hbm>> -> memref<16x128xf32, #tpu.memory_space<hbm>>
      %dma_start3A_378 = arith.constant 0 : i32
      %dma_start3A_379 = arith.constant 0 : i32
      %dma_start3A_380 = tpu.memref_slice %arg10[%dma_start3A_369, %dma_start3A_378, %dma_start3A_379] : memref<13x16x128xf32, #tpu.memory_space<vmem>> -> memref<1x16x128xf32, #tpu.memory_space<vmem>>
      %dma_start3A_381 = tpu.memref_squeeze %dma_start3A_380 : memref<1x16x128xf32, #tpu.memory_space<vmem>> -> memref<16x128xf32, #tpu.memory_space<vmem>>
      tpu.enqueue_dma source(%dma_start3A_381 : memref<16x128xf32, #tpu.memory_space<vmem>>) target(%dma_start3A_377 : memref<16x128xf32, #tpu.memory_space<hbm>>) target_semaphore(%arg12 : memref<!tpu.dma_semaphore, #tpu.memory_space<semaphore_mem>>)
      %add3A_382 = arith.addi %mul3A_2, %mul3A_16 : i32
      %dma_start3A_383 = arith.constant 7 : i32
      %dma_start3A_384 = arith.constant 0 : i32
      %dma_start3A_385 = arith.constant 0 : i32
      %dma_start3A_386 = tpu.memref_slice %arg10[%dma_start3A_383, %dma_start3A_384, %dma_start3A_385] : memref<13x16x128xf32, #tpu.memory_space<vmem>> -> memref<1x16x128xf32, #tpu.memory_space<vmem>>
      %dma_start3A_387 = tpu.memref_squeeze %dma_start3A_386 : memref<1x16x128xf32, #tpu.memory_space<vmem>> -> memref<16x128xf32, #tpu.memory_space<vmem>>
      %dma_start3A_388 = arith.constant 896 : i32
      %dma_start3A_389 = tpu.memref_slice %arg6[%add3A_382, %dma_start3A_388] : memref<16384x2496xf32, #tpu.memory_space<hbm>> -> memref<16x128xf32, #tpu.memory_space<hbm>>
      %dma_start3A_390 = arith.constant 896 : i32
      %dma_start3A_391 = tpu.memref_slice %arg6[%add3A_382, %dma_start3A_390] : memref<16384x2496xf32, #tpu.memory_space<hbm>> -> memref<16x128xf32, #tpu.memory_space<hbm>>
      %dma_start3A_392 = arith.constant 0 : i32
      %dma_start3A_393 = arith.constant 0 : i32
      %dma_start3A_394 = tpu.memref_slice %arg10[%dma_start3A_383, %dma_start3A_392, %dma_start3A_393] : memref<13x16x128xf32, #tpu.memory_space<vmem>> -> memref<1x16x128xf32, #tpu.memory_space<vmem>>
      %dma_start3A_395 = tpu.memref_squeeze %dma_start3A_394 : memref<1x16x128xf32, #tpu.memory_space<vmem>> -> memref<16x128xf32, #tpu.memory_space<vmem>>
      tpu.enqueue_dma source(%dma_start3A_395 : memref<16x128xf32, #tpu.memory_space<vmem>>) target(%dma_start3A_391 : memref<16x128xf32, #tpu.memory_space<hbm>>) target_semaphore(%arg12 : memref<!tpu.dma_semaphore, #tpu.memory_space<semaphore_mem>>)
      %add3A_396 = arith.addi %mul3A_2, %mul3A_16 : i32
      %dma_start3A_397 = arith.constant 8 : i32
      %dma_start3A_398 = arith.constant 0 : i32
      %dma_start3A_399 = arith.constant 0 : i32
      %dma_start3A_400 = tpu.memref_slice %arg10[%dma_start3A_397, %dma_start3A_398, %dma_start3A_399] : memref<13x16x128xf32, #tpu.memory_space<vmem>> -> memref<1x16x128xf32, #tpu.memory_space<vmem>>
      %dma_start3A_401 = tpu.memref_squeeze %dma_start3A_400 : memref<1x16x128xf32, #tpu.memory_space<vmem>> -> memref<16x128xf32, #tpu.memory_space<vmem>>
      %dma_start3A_402 = arith.constant 1024 : i32
      %dma_start3A_403 = tpu.memref_slice %arg6[%add3A_396, %dma_start3A_402] : memref<16384x2496xf32, #tpu.memory_space<hbm>> -> memref<16x128xf32, #tpu.memory_space<hbm>>
      %dma_start3A_404 = arith.constant 1024 : i32
      %dma_start3A_405 = tpu.memref_slice %arg6[%add3A_396, %dma_start3A_404] : memref<16384x2496xf32, #tpu.memory_space<hbm>> -> memref<16x128xf32, #tpu.memory_space<hbm>>
      %dma_start3A_406 = arith.constant 0 : i32
      %dma_start3A_407 = arith.constant 0 : i32
      %dma_start3A_408 = tpu.memref_slice %arg10[%dma_start3A_397, %dma_start3A_406, %dma_start3A_407] : memref<13x16x128xf32, #tpu.memory_space<vmem>> -> memref<1x16x128xf32, #tpu.memory_space<vmem>>
      %dma_start3A_409 = tpu.memref_squeeze %dma_start3A_408 : memref<1x16x128xf32, #tpu.memory_space<vmem>> -> memref<16x128xf32, #tpu.memory_space<vmem>>
      tpu.enqueue_dma source(%dma_start3A_409 : memref<16x128xf32, #tpu.memory_space<vmem>>) target(%dma_start3A_405 : memref<16x128xf32, #tpu.memory_space<hbm>>) target_semaphore(%arg12 : memref<!tpu.dma_semaphore, #tpu.memory_space<semaphore_mem>>)
      %add3A_410 = arith.addi %mul3A_2, %mul3A_16 : i32
      %dma_start3A_411 = arith.constant 9 : i32
      %dma_start3A_412 = arith.constant 0 : i32
      %dma_start3A_413 = arith.constant 0 : i32
      %dma_start3A_414 = tpu.memref_slice %arg10[%dma_start3A_411, %dma_start3A_412, %dma_start3A_413] : memref<13x16x128xf32, #tpu.memory_space<vmem>> -> memref<1x16x128xf32, #tpu.memory_space<vmem>>
      %dma_start3A_415 = tpu.memref_squeeze %dma_start3A_414 : memref<1x16x128xf32, #tpu.memory_space<vmem>> -> memref<16x128xf32, #tpu.memory_space<vmem>>
      %dma_start3A_416 = arith.constant 1152 : i32
      %dma_start3A_417 = tpu.memref_slice %arg6[%add3A_410, %dma_start3A_416] : memref<16384x2496xf32, #tpu.memory_space<hbm>> -> memref<16x128xf32, #tpu.memory_space<hbm>>
      %dma_start3A_418 = arith.constant 1152 : i32
      %dma_start3A_419 = tpu.memref_slice %arg6[%add3A_410, %dma_start3A_418] : memref<16384x2496xf32, #tpu.memory_space<hbm>> -> memref<16x128xf32, #tpu.memory_space<hbm>>
      %dma_start3A_420 = arith.constant 0 : i32
      %dma_start3A_421 = arith.constant 0 : i32
      %dma_start3A_422 = tpu.memref_slice %arg10[%dma_start3A_411, %dma_start3A_420, %dma_start3A_421] : memref<13x16x128xf32, #tpu.memory_space<vmem>> -> memref<1x16x128xf32, #tpu.memory_space<vmem>>
      %dma_start3A_423 = tpu.memref_squeeze %dma_start3A_422 : memref<1x16x128xf32, #tpu.memory_space<vmem>> -> memref<16x128xf32, #tpu.memory_space<vmem>>
      tpu.enqueue_dma source(%dma_start3A_423 : memref<16x128xf32, #tpu.memory_space<vmem>>) target(%dma_start3A_419 : memref<16x128xf32, #tpu.memory_space<hbm>>) target_semaphore(%arg12 : memref<!tpu.dma_semaphore, #tpu.memory_space<semaphore_mem>>)
      %add3A_424 = arith.addi %mul3A_2, %mul3A_16 : i32
      %dma_start3A_425 = arith.constant 10 : i32
      %dma_start3A_426 = arith.constant 0 : i32
      %dma_start3A_427 = arith.constant 0 : i32
      %dma_start3A_428 = tpu.memref_slice %arg10[%dma_start3A_425, %dma_start3A_426, %dma_start3A_427] : memref<13x16x128xf32, #tpu.memory_space<vmem>> -> memref<1x16x128xf32, #tpu.memory_space<vmem>>
      %dma_start3A_429 = tpu.memref_squeeze %dma_start3A_428 : memref<1x16x128xf32, #tpu.memory_space<vmem>> -> memref<16x128xf32, #tpu.memory_space<vmem>>
      %dma_start3A_430 = arith.constant 1280 : i32
      %dma_start3A_431 = tpu.memref_slice %arg6[%add3A_424, %dma_start3A_430] : memref<16384x2496xf32, #tpu.memory_space<hbm>> -> memref<16x128xf32, #tpu.memory_space<hbm>>
      %dma_start3A_432 = arith.constant 1280 : i32
      %dma_start3A_433 = tpu.memref_slice %arg6[%add3A_424, %dma_start3A_432] : memref<16384x2496xf32, #tpu.memory_space<hbm>> -> memref<16x128xf32, #tpu.memory_space<hbm>>
      %dma_start3A_434 = arith.constant 0 : i32
      %dma_start3A_435 = arith.constant 0 : i32
      %dma_start3A_436 = tpu.memref_slice %arg10[%dma_start3A_425, %dma_start3A_434, %dma_start3A_435] : memref<13x16x128xf32, #tpu.memory_space<vmem>> -> memref<1x16x128xf32, #tpu.memory_space<vmem>>
      %dma_start3A_437 = tpu.memref_squeeze %dma_start3A_436 : memref<1x16x128xf32, #tpu.memory_space<vmem>> -> memref<16x128xf32, #tpu.memory_space<vmem>>
      tpu.enqueue_dma source(%dma_start3A_437 : memref<16x128xf32, #tpu.memory_space<vmem>>) target(%dma_start3A_433 : memref<16x128xf32, #tpu.memory_space<hbm>>) target_semaphore(%arg12 : memref<!tpu.dma_semaphore, #tpu.memory_space<semaphore_mem>>)
      %add3A_438 = arith.addi %mul3A_2, %mul3A_16 : i32
      %dma_start3A_439 = arith.constant 11 : i32
      %dma_start3A_440 = arith.constant 0 : i32
      %dma_start3A_441 = arith.constant 0 : i32
      %dma_start3A_442 = tpu.memref_slice %arg10[%dma_start3A_439, %dma_start3A_440, %dma_start3A_441] : memref<13x16x128xf32, #tpu.memory_space<vmem>> -> memref<1x16x128xf32, #tpu.memory_space<vmem>>
      %dma_start3A_443 = tpu.memref_squeeze %dma_start3A_442 : memref<1x16x128xf32, #tpu.memory_space<vmem>> -> memref<16x128xf32, #tpu.memory_space<vmem>>
      %dma_start3A_444 = arith.constant 1408 : i32
      %dma_start3A_445 = tpu.memref_slice %arg6[%add3A_438, %dma_start3A_444] : memref<16384x2496xf32, #tpu.memory_space<hbm>> -> memref<16x128xf32, #tpu.memory_space<hbm>>
      %dma_start3A_446 = arith.constant 1408 : i32
      %dma_start3A_447 = tpu.memref_slice %arg6[%add3A_438, %dma_start3A_446] : memref<16384x2496xf32, #tpu.memory_space<hbm>> -> memref<16x128xf32, #tpu.memory_space<hbm>>
      %dma_start3A_448 = arith.constant 0 : i32
      %dma_start3A_449 = arith.constant 0 : i32
      %dma_start3A_450 = tpu.memref_slice %arg10[%dma_start3A_439, %dma_start3A_448, %dma_start3A_449] : memref<13x16x128xf32, #tpu.memory_space<vmem>> -> memref<1x16x128xf32, #tpu.memory_space<vmem>>
      %dma_start3A_451 = tpu.memref_squeeze %dma_start3A_450 : memref<1x16x128xf32, #tpu.memory_space<vmem>> -> memref<16x128xf32, #tpu.memory_space<vmem>>
      tpu.enqueue_dma source(%dma_start3A_451 : memref<16x128xf32, #tpu.memory_space<vmem>>) target(%dma_start3A_447 : memref<16x128xf32, #tpu.memory_space<hbm>>) target_semaphore(%arg12 : memref<!tpu.dma_semaphore, #tpu.memory_space<semaphore_mem>>)
      %add3A_452 = arith.addi %mul3A_2, %mul3A_16 : i32
      %dma_start3A_453 = arith.constant 12 : i32
      %dma_start3A_454 = arith.constant 0 : i32
      %dma_start3A_455 = arith.constant 0 : i32
      %dma_start3A_456 = tpu.memref_slice %arg10[%dma_start3A_453, %dma_start3A_454, %dma_start3A_455] : memref<13x16x128xf32, #tpu.memory_space<vmem>> -> memref<1x16x128xf32, #tpu.memory_space<vmem>>
      %dma_start3A_457 = tpu.memref_squeeze %dma_start3A_456 : memref<1x16x128xf32, #tpu.memory_space<vmem>> -> memref<16x128xf32, #tpu.memory_space<vmem>>
      %dma_start3A_458 = arith.constant 1536 : i32
      %dma_start3A_459 = tpu.memref_slice %arg6[%add3A_452, %dma_start3A_458] : memref<16384x2496xf32, #tpu.memory_space<hbm>> -> memref<16x128xf32, #tpu.memory_space<hbm>>
      %dma_start3A_460 = arith.constant 1536 : i32
      %dma_start3A_461 = tpu.memref_slice %arg6[%add3A_452, %dma_start3A_460] : memref<16384x2496xf32, #tpu.memory_space<hbm>> -> memref<16x128xf32, #tpu.memory_space<hbm>>
      %dma_start3A_462 = arith.constant 0 : i32
      %dma_start3A_463 = arith.constant 0 : i32
      %dma_start3A_464 = tpu.memref_slice %arg10[%dma_start3A_453, %dma_start3A_462, %dma_start3A_463] : memref<13x16x128xf32, #tpu.memory_space<vmem>> -> memref<1x16x128xf32, #tpu.memory_space<vmem>>
      %dma_start3A_465 = tpu.memref_squeeze %dma_start3A_464 : memref<1x16x128xf32, #tpu.memory_space<vmem>> -> memref<16x128xf32, #tpu.memory_space<vmem>>
      tpu.enqueue_dma source(%dma_start3A_465 : memref<16x128xf32, #tpu.memory_space<vmem>>) target(%dma_start3A_461 : memref<16x128xf32, #tpu.memory_space<hbm>>) target_semaphore(%arg12 : memref<!tpu.dma_semaphore, #tpu.memory_space<semaphore_mem>>)
      %add3A_466 = arith.addi %mul3A_2, %mul3A_16 : i32
      %dma_start3A_467 = arith.constant 1664 : i32
      %dma_start3A_468 = tpu.memref_slice %arg6[%add3A_466, %dma_start3A_467] : memref<16384x2496xf32, #tpu.memory_space<hbm>> -> memref<16x832xf32, #tpu.memory_space<hbm>>
      %dma_start3A_469 = arith.constant 1664 : i32
      %dma_start3A_470 = tpu.memref_slice %arg6[%add3A_466, %dma_start3A_469] : memref<16384x2496xf32, #tpu.memory_space<hbm>> -> memref<16x832xf32, #tpu.memory_space<hbm>>
      tpu.enqueue_dma source(%arg11 : memref<16x832xf32, #tpu.memory_space<vmem>>) target(%dma_start3A_470 : memref<16x832xf32, #tpu.memory_space<hbm>>) target_semaphore(%arg12 : memref<!tpu.dma_semaphore, #tpu.memory_space<semaphore_mem>>)
      %dma_wait3A_471 = arith.constant 0 : i32
      %dma_wait3A_472 = arith.constant 0 : i32
      %dma_wait3A_473 = arith.constant 0 : i32
      %dma_wait3A_474 = tpu.memref_slice %arg10[%dma_wait3A_471, %dma_wait3A_472, %dma_wait3A_473] : memref<13x16x128xf32, #tpu.memory_space<vmem>> -> memref<1x16x128xf32, #tpu.memory_space<vmem>>
      %dma_wait3A_475 = tpu.memref_squeeze %dma_wait3A_474 : memref<1x16x128xf32, #tpu.memory_space<vmem>> -> memref<16x128xf32, #tpu.memory_space<vmem>>
      %dma_wait3A_476 = arith.constant 0 : i32
      %dma_wait3A_477 = tpu.memref_slice %arg6[%add3A_284, %dma_wait3A_476] : memref<16384x2496xf32, #tpu.memory_space<hbm>> -> memref<16x128xf32, #tpu.memory_space<hbm>>
      %dma_wait3A_478 = arith.constant 0 : i32
      %dma_wait3A_479 = tpu.memref_slice %arg6[%add3A_284, %dma_wait3A_478] : memref<16384x2496xf32, #tpu.memory_space<hbm>> -> memref<16x128xf32, #tpu.memory_space<hbm>>
      %dma_wait3A_480 = arith.constant 0 : i32
      %dma_wait3A_481 = arith.constant 0 : i32
      %dma_wait3A_482 = tpu.memref_slice %arg10[%dma_wait3A_471, %dma_wait3A_480, %dma_wait3A_481] : memref<13x16x128xf32, #tpu.memory_space<vmem>> -> memref<1x16x128xf32, #tpu.memory_space<vmem>>
      %dma_wait3A_483 = tpu.memref_squeeze %dma_wait3A_482 : memref<1x16x128xf32, #tpu.memory_space<vmem>> -> memref<16x128xf32, #tpu.memory_space<vmem>>
      tpu.wait_dma2 semaphore(%arg12 : memref<!tpu.dma_semaphore, #tpu.memory_space<semaphore_mem>>) src(%dma_wait3A_483 : memref<16x128xf32, #tpu.memory_space<vmem>>) dst(%dma_wait3A_479 : memref<16x128xf32, #tpu.memory_space<hbm>>)
      %dma_wait3A_484 = arith.constant 1 : i32
      %dma_wait3A_485 = arith.constant 0 : i32
      %dma_wait3A_486 = arith.constant 0 : i32
      %dma_wait3A_487 = tpu.memref_slice %arg10[%dma_wait3A_484, %dma_wait3A_485, %dma_wait3A_486] : memref<13x16x128xf32, #tpu.memory_space<vmem>> -> memref<1x16x128xf32, #tpu.memory_space<vmem>>
      %dma_wait3A_488 = tpu.memref_squeeze %dma_wait3A_487 : memref<1x16x128xf32, #tpu.memory_space<vmem>> -> memref<16x128xf32, #tpu.memory_space<vmem>>
      %dma_wait3A_489 = arith.constant 128 : i32
      %dma_wait3A_490 = tpu.memref_slice %arg6[%add3A_298, %dma_wait3A_489] : memref<16384x2496xf32, #tpu.memory_space<hbm>> -> memref<16x128xf32, #tpu.memory_space<hbm>>
      %dma_wait3A_491 = arith.constant 128 : i32
      %dma_wait3A_492 = tpu.memref_slice %arg6[%add3A_298, %dma_wait3A_491] : memref<16384x2496xf32, #tpu.memory_space<hbm>> -> memref<16x128xf32, #tpu.memory_space<hbm>>
      %dma_wait3A_493 = arith.constant 0 : i32
      %dma_wait3A_494 = arith.constant 0 : i32
      %dma_wait3A_495 = tpu.memref_slice %arg10[%dma_wait3A_484, %dma_wait3A_493, %dma_wait3A_494] : memref<13x16x128xf32, #tpu.memory_space<vmem>> -> memref<1x16x128xf32, #tpu.memory_space<vmem>>
      %dma_wait3A_496 = tpu.memref_squeeze %dma_wait3A_495 : memref<1x16x128xf32, #tpu.memory_space<vmem>> -> memref<16x128xf32, #tpu.memory_space<vmem>>
      tpu.wait_dma2 semaphore(%arg12 : memref<!tpu.dma_semaphore, #tpu.memory_space<semaphore_mem>>) src(%dma_wait3A_496 : memref<16x128xf32, #tpu.memory_space<vmem>>) dst(%dma_wait3A_492 : memref<16x128xf32, #tpu.memory_space<hbm>>)
      %dma_wait3A_497 = arith.constant 2 : i32
      %dma_wait3A_498 = arith.constant 0 : i32
      %dma_wait3A_499 = arith.constant 0 : i32
      %dma_wait3A_500 = tpu.memref_slice %arg10[%dma_wait3A_497, %dma_wait3A_498, %dma_wait3A_499] : memref<13x16x128xf32, #tpu.memory_space<vmem>> -> memref<1x16x128xf32, #tpu.memory_space<vmem>>
      %dma_wait3A_501 = tpu.memref_squeeze %dma_wait3A_500 : memref<1x16x128xf32, #tpu.memory_space<vmem>> -> memref<16x128xf32, #tpu.memory_space<vmem>>
      %dma_wait3A_502 = arith.constant 256 : i32
      %dma_wait3A_503 = tpu.memref_slice %arg6[%add3A_312, %dma_wait3A_502] : memref<16384x2496xf32, #tpu.memory_space<hbm>> -> memref<16x128xf32, #tpu.memory_space<hbm>>
      %dma_wait3A_504 = arith.constant 256 : i32
      %dma_wait3A_505 = tpu.memref_slice %arg6[%add3A_312, %dma_wait3A_504] : memref<16384x2496xf32, #tpu.memory_space<hbm>> -> memref<16x128xf32, #tpu.memory_space<hbm>>
      %dma_wait3A_506 = arith.constant 0 : i32
      %dma_wait3A_507 = arith.constant 0 : i32
      %dma_wait3A_508 = tpu.memref_slice %arg10[%dma_wait3A_497, %dma_wait3A_506, %dma_wait3A_507] : memref<13x16x128xf32, #tpu.memory_space<vmem>> -> memref<1x16x128xf32, #tpu.memory_space<vmem>>
      %dma_wait3A_509 = tpu.memref_squeeze %dma_wait3A_508 : memref<1x16x128xf32, #tpu.memory_space<vmem>> -> memref<16x128xf32, #tpu.memory_space<vmem>>
      tpu.wait_dma2 semaphore(%arg12 : memref<!tpu.dma_semaphore, #tpu.memory_space<semaphore_mem>>) src(%dma_wait3A_509 : memref<16x128xf32, #tpu.memory_space<vmem>>) dst(%dma_wait3A_505 : memref<16x128xf32, #tpu.memory_space<hbm>>)
      %dma_wait3A_510 = arith.constant 3 : i32
      %dma_wait3A_511 = arith.constant 0 : i32
      %dma_wait3A_512 = arith.constant 0 : i32
      %dma_wait3A_513 = tpu.memref_slice %arg10[%dma_wait3A_510, %dma_wait3A_511, %dma_wait3A_512] : memref<13x16x128xf32, #tpu.memory_space<vmem>> -> memref<1x16x128xf32, #tpu.memory_space<vmem>>
      %dma_wait3A_514 = tpu.memref_squeeze %dma_wait3A_513 : memref<1x16x128xf32, #tpu.memory_space<vmem>> -> memref<16x128xf32, #tpu.memory_space<vmem>>
      %dma_wait3A_515 = arith.constant 384 : i32
      %dma_wait3A_516 = tpu.memref_slice %arg6[%add3A_326, %dma_wait3A_515] : memref<16384x2496xf32, #tpu.memory_space<hbm>> -> memref<16x128xf32, #tpu.memory_space<hbm>>
      %dma_wait3A_517 = arith.constant 384 : i32
      %dma_wait3A_518 = tpu.memref_slice %arg6[%add3A_326, %dma_wait3A_517] : memref<16384x2496xf32, #tpu.memory_space<hbm>> -> memref<16x128xf32, #tpu.memory_space<hbm>>
      %dma_wait3A_519 = arith.constant 0 : i32
      %dma_wait3A_520 = arith.constant 0 : i32
      %dma_wait3A_521 = tpu.memref_slice %arg10[%dma_wait3A_510, %dma_wait3A_519, %dma_wait3A_520] : memref<13x16x128xf32, #tpu.memory_space<vmem>> -> memref<1x16x128xf32, #tpu.memory_space<vmem>>
      %dma_wait3A_522 = tpu.memref_squeeze %dma_wait3A_521 : memref<1x16x128xf32, #tpu.memory_space<vmem>> -> memref<16x128xf32, #tpu.memory_space<vmem>>
      tpu.wait_dma2 semaphore(%arg12 : memref<!tpu.dma_semaphore, #tpu.memory_space<semaphore_mem>>) src(%dma_wait3A_522 : memref<16x128xf32, #tpu.memory_space<vmem>>) dst(%dma_wait3A_518 : memref<16x128xf32, #tpu.memory_space<hbm>>)
      %dma_wait3A_523 = arith.constant 4 : i32
      %dma_wait3A_524 = arith.constant 0 : i32
      %dma_wait3A_525 = arith.constant 0 : i32
      %dma_wait3A_526 = tpu.memref_slice %arg10[%dma_wait3A_523, %dma_wait3A_524, %dma_wait3A_525] : memref<13x16x128xf32, #tpu.memory_space<vmem>> -> memref<1x16x128xf32, #tpu.memory_space<vmem>>
      %dma_wait3A_527 = tpu.memref_squeeze %dma_wait3A_526 : memref<1x16x128xf32, #tpu.memory_space<vmem>> -> memref<16x128xf32, #tpu.memory_space<vmem>>
      %dma_wait3A_528 = arith.constant 512 : i32
      %dma_wait3A_529 = tpu.memref_slice %arg6[%add3A_340, %dma_wait3A_528] : memref<16384x2496xf32, #tpu.memory_space<hbm>> -> memref<16x128xf32, #tpu.memory_space<hbm>>
      %dma_wait3A_530 = arith.constant 512 : i32
      %dma_wait3A_531 = tpu.memref_slice %arg6[%add3A_340, %dma_wait3A_530] : memref<16384x2496xf32, #tpu.memory_space<hbm>> -> memref<16x128xf32, #tpu.memory_space<hbm>>
      %dma_wait3A_532 = arith.constant 0 : i32
      %dma_wait3A_533 = arith.constant 0 : i32
      %dma_wait3A_534 = tpu.memref_slice %arg10[%dma_wait3A_523, %dma_wait3A_532, %dma_wait3A_533] : memref<13x16x128xf32, #tpu.memory_space<vmem>> -> memref<1x16x128xf32, #tpu.memory_space<vmem>>
      %dma_wait3A_535 = tpu.memref_squeeze %dma_wait3A_534 : memref<1x16x128xf32, #tpu.memory_space<vmem>> -> memref<16x128xf32, #tpu.memory_space<vmem>>
      tpu.wait_dma2 semaphore(%arg12 : memref<!tpu.dma_semaphore, #tpu.memory_space<semaphore_mem>>) src(%dma_wait3A_535 : memref<16x128xf32, #tpu.memory_space<vmem>>) dst(%dma_wait3A_531 : memref<16x128xf32, #tpu.memory_space<hbm>>)
      %dma_wait3A_536 = arith.constant 5 : i32
      %dma_wait3A_537 = arith.constant 0 : i32
      %dma_wait3A_538 = arith.constant 0 : i32
      %dma_wait3A_539 = tpu.memref_slice %arg10[%dma_wait3A_536, %dma_wait3A_537, %dma_wait3A_538] : memref<13x16x128xf32, #tpu.memory_space<vmem>> -> memref<1x16x128xf32, #tpu.memory_space<vmem>>
      %dma_wait3A_540 = tpu.memref_squeeze %dma_wait3A_539 : memref<1x16x128xf32, #tpu.memory_space<vmem>> -> memref<16x128xf32, #tpu.memory_space<vmem>>
      %dma_wait3A_541 = arith.constant 640 : i32
      %dma_wait3A_542 = tpu.memref_slice %arg6[%add3A_354, %dma_wait3A_541] : memref<16384x2496xf32, #tpu.memory_space<hbm>> -> memref<16x128xf32, #tpu.memory_space<hbm>>
      %dma_wait3A_543 = arith.constant 640 : i32
      %dma_wait3A_544 = tpu.memref_slice %arg6[%add3A_354, %dma_wait3A_543] : memref<16384x2496xf32, #tpu.memory_space<hbm>> -> memref<16x128xf32, #tpu.memory_space<hbm>>
      %dma_wait3A_545 = arith.constant 0 : i32
      %dma_wait3A_546 = arith.constant 0 : i32
      %dma_wait3A_547 = tpu.memref_slice %arg10[%dma_wait3A_536, %dma_wait3A_545, %dma_wait3A_546] : memref<13x16x128xf32, #tpu.memory_space<vmem>> -> memref<1x16x128xf32, #tpu.memory_space<vmem>>
      %dma_wait3A_548 = tpu.memref_squeeze %dma_wait3A_547 : memref<1x16x128xf32, #tpu.memory_space<vmem>> -> memref<16x128xf32, #tpu.memory_space<vmem>>
      tpu.wait_dma2 semaphore(%arg12 : memref<!tpu.dma_semaphore, #tpu.memory_space<semaphore_mem>>) src(%dma_wait3A_548 : memref<16x128xf32, #tpu.memory_space<vmem>>) dst(%dma_wait3A_544 : memref<16x128xf32, #tpu.memory_space<hbm>>)
      %dma_wait3A_549 = arith.constant 6 : i32
      %dma_wait3A_550 = arith.constant 0 : i32
      %dma_wait3A_551 = arith.constant 0 : i32
      %dma_wait3A_552 = tpu.memref_slice %arg10[%dma_wait3A_549, %dma_wait3A_550, %dma_wait3A_551] : memref<13x16x128xf32, #tpu.memory_space<vmem>> -> memref<1x16x128xf32, #tpu.memory_space<vmem>>
      %dma_wait3A_553 = tpu.memref_squeeze %dma_wait3A_552 : memref<1x16x128xf32, #tpu.memory_space<vmem>> -> memref<16x128xf32, #tpu.memory_space<vmem>>
      %dma_wait3A_554 = arith.constant 768 : i32
      %dma_wait3A_555 = tpu.memref_slice %arg6[%add3A_368, %dma_wait3A_554] : memref<16384x2496xf32, #tpu.memory_space<hbm>> -> memref<16x128xf32, #tpu.memory_space<hbm>>
      %dma_wait3A_556 = arith.constant 768 : i32
      %dma_wait3A_557 = tpu.memref_slice %arg6[%add3A_368, %dma_wait3A_556] : memref<16384x2496xf32, #tpu.memory_space<hbm>> -> memref<16x128xf32, #tpu.memory_space<hbm>>
      %dma_wait3A_558 = arith.constant 0 : i32
      %dma_wait3A_559 = arith.constant 0 : i32
      %dma_wait3A_560 = tpu.memref_slice %arg10[%dma_wait3A_549, %dma_wait3A_558, %dma_wait3A_559] : memref<13x16x128xf32, #tpu.memory_space<vmem>> -> memref<1x16x128xf32, #tpu.memory_space<vmem>>
      %dma_wait3A_561 = tpu.memref_squeeze %dma_wait3A_560 : memref<1x16x128xf32, #tpu.memory_space<vmem>> -> memref<16x128xf32, #tpu.memory_space<vmem>>
      tpu.wait_dma2 semaphore(%arg12 : memref<!tpu.dma_semaphore, #tpu.memory_space<semaphore_mem>>) src(%dma_wait3A_561 : memref<16x128xf32, #tpu.memory_space<vmem>>) dst(%dma_wait3A_557 : memref<16x128xf32, #tpu.memory_space<hbm>>)
      %dma_wait3A_562 = arith.constant 7 : i32
      %dma_wait3A_563 = arith.constant 0 : i32
      %dma_wait3A_564 = arith.constant 0 : i32
      %dma_wait3A_565 = tpu.memref_slice %arg10[%dma_wait3A_562, %dma_wait3A_563, %dma_wait3A_564] : memref<13x16x128xf32, #tpu.memory_space<vmem>> -> memref<1x16x128xf32, #tpu.memory_space<vmem>>
      %dma_wait3A_566 = tpu.memref_squeeze %dma_wait3A_565 : memref<1x16x128xf32, #tpu.memory_space<vmem>> -> memref<16x128xf32, #tpu.memory_space<vmem>>
      %dma_wait3A_567 = arith.constant 896 : i32
      %dma_wait3A_568 = tpu.memref_slice %arg6[%add3A_382, %dma_wait3A_567] : memref<16384x2496xf32, #tpu.memory_space<hbm>> -> memref<16x128xf32, #tpu.memory_space<hbm>>
      %dma_wait3A_569 = arith.constant 896 : i32
      %dma_wait3A_570 = tpu.memref_slice %arg6[%add3A_382, %dma_wait3A_569] : memref<16384x2496xf32, #tpu.memory_space<hbm>> -> memref<16x128xf32, #tpu.memory_space<hbm>>
      %dma_wait3A_571 = arith.constant 0 : i32
      %dma_wait3A_572 = arith.constant 0 : i32
      %dma_wait3A_573 = tpu.memref_slice %arg10[%dma_wait3A_562, %dma_wait3A_571, %dma_wait3A_572] : memref<13x16x128xf32, #tpu.memory_space<vmem>> -> memref<1x16x128xf32, #tpu.memory_space<vmem>>
      %dma_wait3A_574 = tpu.memref_squeeze %dma_wait3A_573 : memref<1x16x128xf32, #tpu.memory_space<vmem>> -> memref<16x128xf32, #tpu.memory_space<vmem>>
      tpu.wait_dma2 semaphore(%arg12 : memref<!tpu.dma_semaphore, #tpu.memory_space<semaphore_mem>>) src(%dma_wait3A_574 : memref<16x128xf32, #tpu.memory_space<vmem>>) dst(%dma_wait3A_570 : memref<16x128xf32, #tpu.memory_space<hbm>>)
      %dma_wait3A_575 = arith.constant 8 : i32
      %dma_wait3A_576 = arith.constant 0 : i32
      %dma_wait3A_577 = arith.constant 0 : i32
      %dma_wait3A_578 = tpu.memref_slice %arg10[%dma_wait3A_575, %dma_wait3A_576, %dma_wait3A_577] : memref<13x16x128xf32, #tpu.memory_space<vmem>> -> memref<1x16x128xf32, #tpu.memory_space<vmem>>
      %dma_wait3A_579 = tpu.memref_squeeze %dma_wait3A_578 : memref<1x16x128xf32, #tpu.memory_space<vmem>> -> memref<16x128xf32, #tpu.memory_space<vmem>>
      %dma_wait3A_580 = arith.constant 1024 : i32
      %dma_wait3A_581 = tpu.memref_slice %arg6[%add3A_396, %dma_wait3A_580] : memref<16384x2496xf32, #tpu.memory_space<hbm>> -> memref<16x128xf32, #tpu.memory_space<hbm>>
      %dma_wait3A_582 = arith.constant 1024 : i32
      %dma_wait3A_583 = tpu.memref_slice %arg6[%add3A_396, %dma_wait3A_582] : memref<16384x2496xf32, #tpu.memory_space<hbm>> -> memref<16x128xf32, #tpu.memory_space<hbm>>
      %dma_wait3A_584 = arith.constant 0 : i32
      %dma_wait3A_585 = arith.constant 0 : i32
      %dma_wait3A_586 = tpu.memref_slice %arg10[%dma_wait3A_575, %dma_wait3A_584, %dma_wait3A_585] : memref<13x16x128xf32, #tpu.memory_space<vmem>> -> memref<1x16x128xf32, #tpu.memory_space<vmem>>
      %dma_wait3A_587 = tpu.memref_squeeze %dma_wait3A_586 : memref<1x16x128xf32, #tpu.memory_space<vmem>> -> memref<16x128xf32, #tpu.memory_space<vmem>>
      tpu.wait_dma2 semaphore(%arg12 : memref<!tpu.dma_semaphore, #tpu.memory_space<semaphore_mem>>) src(%dma_wait3A_587 : memref<16x128xf32, #tpu.memory_space<vmem>>) dst(%dma_wait3A_583 : memref<16x128xf32, #tpu.memory_space<hbm>>)
      %dma_wait3A_588 = arith.constant 9 : i32
      %dma_wait3A_589 = arith.constant 0 : i32
      %dma_wait3A_590 = arith.constant 0 : i32
      %dma_wait3A_591 = tpu.memref_slice %arg10[%dma_wait3A_588, %dma_wait3A_589, %dma_wait3A_590] : memref<13x16x128xf32, #tpu.memory_space<vmem>> -> memref<1x16x128xf32, #tpu.memory_space<vmem>>
      %dma_wait3A_592 = tpu.memref_squeeze %dma_wait3A_591 : memref<1x16x128xf32, #tpu.memory_space<vmem>> -> memref<16x128xf32, #tpu.memory_space<vmem>>
      %dma_wait3A_593 = arith.constant 1152 : i32
      %dma_wait3A_594 = tpu.memref_slice %arg6[%add3A_410, %dma_wait3A_593] : memref<16384x2496xf32, #tpu.memory_space<hbm>> -> memref<16x128xf32, #tpu.memory_space<hbm>>
      %dma_wait3A_595 = arith.constant 1152 : i32
      %dma_wait3A_596 = tpu.memref_slice %arg6[%add3A_410, %dma_wait3A_595] : memref<16384x2496xf32, #tpu.memory_space<hbm>> -> memref<16x128xf32, #tpu.memory_space<hbm>>
      %dma_wait3A_597 = arith.constant 0 : i32
      %dma_wait3A_598 = arith.constant 0 : i32
      %dma_wait3A_599 = tpu.memref_slice %arg10[%dma_wait3A_588, %dma_wait3A_597, %dma_wait3A_598] : memref<13x16x128xf32, #tpu.memory_space<vmem>> -> memref<1x16x128xf32, #tpu.memory_space<vmem>>
      %dma_wait3A_600 = tpu.memref_squeeze %dma_wait3A_599 : memref<1x16x128xf32, #tpu.memory_space<vmem>> -> memref<16x128xf32, #tpu.memory_space<vmem>>
      tpu.wait_dma2 semaphore(%arg12 : memref<!tpu.dma_semaphore, #tpu.memory_space<semaphore_mem>>) src(%dma_wait3A_600 : memref<16x128xf32, #tpu.memory_space<vmem>>) dst(%dma_wait3A_596 : memref<16x128xf32, #tpu.memory_space<hbm>>)
      %dma_wait3A_601 = arith.constant 10 : i32
      %dma_wait3A_602 = arith.constant 0 : i32
      %dma_wait3A_603 = arith.constant 0 : i32
      %dma_wait3A_604 = tpu.memref_slice %arg10[%dma_wait3A_601, %dma_wait3A_602, %dma_wait3A_603] : memref<13x16x128xf32, #tpu.memory_space<vmem>> -> memref<1x16x128xf32, #tpu.memory_space<vmem>>
      %dma_wait3A_605 = tpu.memref_squeeze %dma_wait3A_604 : memref<1x16x128xf32, #tpu.memory_space<vmem>> -> memref<16x128xf32, #tpu.memory_space<vmem>>
      %dma_wait3A_606 = arith.constant 1280 : i32
      %dma_wait3A_607 = tpu.memref_slice %arg6[%add3A_424, %dma_wait3A_606] : memref<16384x2496xf32, #tpu.memory_space<hbm>> -> memref<16x128xf32, #tpu.memory_space<hbm>>
      %dma_wait3A_608 = arith.constant 1280 : i32
      %dma_wait3A_609 = tpu.memref_slice %arg6[%add3A_424, %dma_wait3A_608] : memref<16384x2496xf32, #tpu.memory_space<hbm>> -> memref<16x128xf32, #tpu.memory_space<hbm>>
      %dma_wait3A_610 = arith.constant 0 : i32
      %dma_wait3A_611 = arith.constant 0 : i32
      %dma_wait3A_612 = tpu.memref_slice %arg10[%dma_wait3A_601, %dma_wait3A_610, %dma_wait3A_611] : memref<13x16x128xf32, #tpu.memory_space<vmem>> -> memref<1x16x128xf32, #tpu.memory_space<vmem>>
      %dma_wait3A_613 = tpu.memref_squeeze %dma_wait3A_612 : memref<1x16x128xf32, #tpu.memory_space<vmem>> -> memref<16x128xf32, #tpu.memory_space<vmem>>
      tpu.wait_dma2 semaphore(%arg12 : memref<!tpu.dma_semaphore, #tpu.memory_space<semaphore_mem>>) src(%dma_wait3A_613 : memref<16x128xf32, #tpu.memory_space<vmem>>) dst(%dma_wait3A_609 : memref<16x128xf32, #tpu.memory_space<hbm>>)
      %dma_wait3A_614 = arith.constant 11 : i32
      %dma_wait3A_615 = arith.constant 0 : i32
      %dma_wait3A_616 = arith.constant 0 : i32
      %dma_wait3A_617 = tpu.memref_slice %arg10[%dma_wait3A_614, %dma_wait3A_615, %dma_wait3A_616] : memref<13x16x128xf32, #tpu.memory_space<vmem>> -> memref<1x16x128xf32, #tpu.memory_space<vmem>>
      %dma_wait3A_618 = tpu.memref_squeeze %dma_wait3A_617 : memref<1x16x128xf32, #tpu.memory_space<vmem>> -> memref<16x128xf32, #tpu.memory_space<vmem>>
      %dma_wait3A_619 = arith.constant 1408 : i32
      %dma_wait3A_620 = tpu.memref_slice %arg6[%add3A_438, %dma_wait3A_619] : memref<16384x2496xf32, #tpu.memory_space<hbm>> -> memref<16x128xf32, #tpu.memory_space<hbm>>
      %dma_wait3A_621 = arith.constant 1408 : i32
      %dma_wait3A_622 = tpu.memref_slice %arg6[%add3A_438, %dma_wait3A_621] : memref<16384x2496xf32, #tpu.memory_space<hbm>> -> memref<16x128xf32, #tpu.memory_space<hbm>>
      %dma_wait3A_623 = arith.constant 0 : i32
      %dma_wait3A_624 = arith.constant 0 : i32
      %dma_wait3A_625 = tpu.memref_slice %arg10[%dma_wait3A_614, %dma_wait3A_623, %dma_wait3A_624] : memref<13x16x128xf32, #tpu.memory_space<vmem>> -> memref<1x16x128xf32, #tpu.memory_space<vmem>>
      %dma_wait3A_626 = tpu.memref_squeeze %dma_wait3A_625 : memref<1x16x128xf32, #tpu.memory_space<vmem>> -> memref<16x128xf32, #tpu.memory_space<vmem>>
      tpu.wait_dma2 semaphore(%arg12 : memref<!tpu.dma_semaphore, #tpu.memory_space<semaphore_mem>>) src(%dma_wait3A_626 : memref<16x128xf32, #tpu.memory_space<vmem>>) dst(%dma_wait3A_622 : memref<16x128xf32, #tpu.memory_space<hbm>>)
      %dma_wait3A_627 = arith.constant 12 : i32
      %dma_wait3A_628 = arith.constant 0 : i32
      %dma_wait3A_629 = arith.constant 0 : i32
      %dma_wait3A_630 = tpu.memref_slice %arg10[%dma_wait3A_627, %dma_wait3A_628, %dma_wait3A_629] : memref<13x16x128xf32, #tpu.memory_space<vmem>> -> memref<1x16x128xf32, #tpu.memory_space<vmem>>
      %dma_wait3A_631 = tpu.memref_squeeze %dma_wait3A_630 : memref<1x16x128xf32, #tpu.memory_space<vmem>> -> memref<16x128xf32, #tpu.memory_space<vmem>>
      %dma_wait3A_632 = arith.constant 1536 : i32
      %dma_wait3A_633 = tpu.memref_slice %arg6[%add3A_452, %dma_wait3A_632] : memref<16384x2496xf32, #tpu.memory_space<hbm>> -> memref<16x128xf32, #tpu.memory_space<hbm>>
      %dma_wait3A_634 = arith.constant 1536 : i32
      %dma_wait3A_635 = tpu.memref_slice %arg6[%add3A_452, %dma_wait3A_634] : memref<16384x2496xf32, #tpu.memory_space<hbm>> -> memref<16x128xf32, #tpu.memory_space<hbm>>
      %dma_wait3A_636 = arith.constant 0 : i32
      %dma_wait3A_637 = arith.constant 0 : i32
      %dma_wait3A_638 = tpu.memref_slice %arg10[%dma_wait3A_627, %dma_wait3A_636, %dma_wait3A_637] : memref<13x16x128xf32, #tpu.memory_space<vmem>> -> memref<1x16x128xf32, #tpu.memory_space<vmem>>
      %dma_wait3A_639 = tpu.memref_squeeze %dma_wait3A_638 : memref<1x16x128xf32, #tpu.memory_space<vmem>> -> memref<16x128xf32, #tpu.memory_space<vmem>>
      tpu.wait_dma2 semaphore(%arg12 : memref<!tpu.dma_semaphore, #tpu.memory_space<semaphore_mem>>) src(%dma_wait3A_639 : memref<16x128xf32, #tpu.memory_space<vmem>>) dst(%dma_wait3A_635 : memref<16x128xf32, #tpu.memory_space<hbm>>)
      %dma_wait3A_640 = arith.constant 1664 : i32
      %dma_wait3A_641 = tpu.memref_slice %arg6[%add3A_466, %dma_wait3A_640] : memref<16384x2496xf32, #tpu.memory_space<hbm>> -> memref<16x832xf32, #tpu.memory_space<hbm>>
      %dma_wait3A_642 = arith.constant 1664 : i32
      %dma_wait3A_643 = tpu.memref_slice %arg6[%add3A_466, %dma_wait3A_642] : memref<16384x2496xf32, #tpu.memory_space<hbm>> -> memref<16x832xf32, #tpu.memory_space<hbm>>
      tpu.wait_dma2 semaphore(%arg12 : memref<!tpu.dma_semaphore, #tpu.memory_space<semaphore_mem>>) src(%arg11 : memref<16x832xf32, #tpu.memory_space<vmem>>) dst(%dma_wait3A_643 : memref<16x832xf32, #tpu.memory_space<hbm>>)
    }
    %scan3A_13 = arith.constant 32 : i32
    return
  }
}

module attributes {stable_mosaic.version = 14 : i64} {
  func.func @_tc_linear_body(%arg0: i32, %arg1: memref<256x13xf32, #tpu.memory_space<vmem>>, %arg2: memref<13x832xf32, #tpu.memory_space<vmem>>, %arg3: memref<1x832xf32, #tpu.memory_space<vmem>>, %arg4: memref<256x832xf32, #tpu.memory_space<vmem>>) attributes {dimension_semantics = [#tpu.dimension_semantics<arbitrary>], iteration_bounds = array<i64: 64>, scalar_prefetch = 0 : i64, scratch_operands = 0 : i64, tpu.core_type = #tpu.core_type<tc>, window_params = [{transform_indices = @transform_0, window_bounds = array<i64: 256, 13>}, {pipeline_mode = #tpu.pipeline_mode<synchronous>, transform_indices = @transform_1, window_bounds = array<i64: 13, 832>}, {pipeline_mode = #tpu.pipeline_mode<synchronous>, transform_indices = @transform_2, window_bounds = array<i64: 1, 832>}, {transform_indices = @transform_3, window_bounds = array<i64: 256, 832>}]} {
    %get3A = arith.constant 0 : index
    %get3A_0 = arith.constant 0 : index
    %get3A_1 = vector.load %arg1[%get3A, %get3A_0] : memref<256x13xf32, #tpu.memory_space<vmem>>, vector<256x13xf32>
    %get3A_2 = arith.constant 0 : index
    %get3A_3 = arith.constant 0 : index
    %get3A_4 = vector.load %arg2[%get3A_2, %get3A_3] : memref<13x832xf32, #tpu.memory_space<vmem>>, vector<13x832xf32>
    %dot_general3A = arith.constant dense<0.000000e+00> : vector<256x832xf32>
    %dot_general3A_5 = tpu.matmul %get3A_1, %get3A_4, %dot_general3A {dimension_numbers = #tpu.dot_dimension_numbers<[1], [0], [0], [1], [0, 0, 1, 1], [], []>, transpose_lhs_hint = false} : vector<256x13xf32>, vector<13x832xf32>, vector<256x832xf32> -> vector<256x832xf32>
    %get3A_6 = arith.constant 0 : index
    %get3A_7 = arith.constant 0 : index
    %get3A_8 = vector.load %arg3[%get3A_6, %get3A_7] : memref<1x832xf32, #tpu.memory_space<vmem>>, vector<1x832xf32>
    %add3A = vector.broadcast %get3A_8 : vector<1x832xf32> to vector<256x832xf32>
    %add3A_9 = arith.addf %dot_general3A_5, %add3A : vector<256x832xf32>
    %swap3A = arith.constant 0 : index
    %swap3A_10 = arith.constant 0 : index
    %swap3A_11 = vector.load %arg4[%swap3A, %swap3A_10] : memref<256x832xf32, #tpu.memory_space<vmem>>, vector<256x832xf32>
    tpu.vector_store %arg4[%swap3A, %swap3A_10], %add3A_9 {strides = array<i32>} : memref<256x832xf32, #tpu.memory_space<vmem>>, vector<256x832xf32>,
    return
  }
  func.func @transform_0(%arg0: i32) -> (i32, i32) {
    %c0_i32 = arith.constant 0 : i32
    %c0_i32_0 = arith.constant 0 : i32
    return %arg0, %c0_i32 : i32, i32
  }
  func.func @transform_1(%arg0: i32) -> (i32, i32) {
    %c0_i32 = arith.constant 0 : i32
    %c0_i32_0 = arith.constant 0 : i32
    %c0_i32_1 = arith.constant 0 : i32
    return %c0_i32, %c0_i32_0 : i32, i32
  }
  func.func @transform_2(%arg0: i32) -> (i32, i32) {
    %c0_i32 = arith.constant 0 : i32
    %c0_i32_0 = arith.constant 0 : i32
    %c0_i32_1 = arith.constant 0 : i32
    return %c0_i32, %c0_i32_0 : i32, i32
  }
  func.func @transform_3(%arg0: i32) -> (i32, i32) {
    %c0_i32 = arith.constant 0 : i32
    %c0_i32_0 = arith.constant 0 : i32
    return %arg0, %c0_i32 : i32, i32
  }
}

</mosaic_0001>

<sc_bundles>
// kernel: kernel.4.cloned.1.call-start
scs
__scs_entry_jumppad:
0x0: {  	(pc) =	sbr.rel $0x88, $3  }
0x1: {  	(tag) =	ssettag $0x0;
	lr =	simm.s32 $0x1  }
0x2: {  	[smem:$0x3F9C] =	sst lr;
	_ =	strace $0xD0000000  }
0x3: {  	_ = 	snop  }
0x4: {  	_ = 	snop  }
0x5: {  	_ = 	snop  }
0x6: {  	_ = 	snop  }
0x7: {  	_ = 	snop  }
__scs_overlays_trampoline_lowered:
0x8: {  	[smem:$0x3FAB] =	sst s0  }
0x9: {  	[smem:$0x3FAC] =	sst s1  }
0xa: {  	[smem:$0x3FAD] =	sst s2  }
0xb: {  	[smem:$0x3FAE] =	sst s3  }
0xc: {  	[smem:$0x3FAF] =	sst s4  }
0xd: {  	[smem:$0x3FB0] =	sst s5  }
0xe: {  	[smem:$0x3FB1] =	sst s6  }
0xf: {  	[smem:$0x3FB2] =	sst s7  }
0x10: {  	[smem:$0x3FB3] =	sst s8  }
0x11: {  	[smem:$0x3FB4] =	sst s9;
	s0 =	simm.s32 @!p0 $0x0  }
0x12: {  	s1 =	sld [smem:$0x3F9A];
	s0 =	simm.s32 @p0 $0x1  }
0x13: {  	[smem:$0x3FB5] =	sst s0;
	s0 =	simm.s32 @!p1 $0x0  }
0x14: {  	s2 =	sld [smem:$0x3F99];
	s0 =	simm.s32 @p1 $0x1  }
0x15: {  	[smem:$0x3FB6] =	sst s0;
	s0 =	simm.s32 @!p2 $0x0  }
0x16: {  	s3 =	sld [smem:$0x3FDB];
	s0 =	simm.s32 @p2 $0x1  }
0x17: {  	s4 =	simm.s32 $0x1BF5;
	[smem:$0x3FB8] =	sst s0  }
0x18: {  	s0 =	sld [smem:$0x3F9B];
	_ =	swait.ge [sflag:s4], $0x0  }
0x19: {  	s7 =	sld [smem:$0x3F9C]  }
0x1a: {  	s8 =	sadd.s32 $0xFFFFE003, lr  }
0x1b: {  	s9 =	sadd.s32 $0xFFFFFEF7, lr;
	s5 =	simm.s32 $0xFFFFFFFF;
	p2 =	slt.u32 s8, $0xFFFFF086  }
0x1c: {  	p1 =	slt.u32 s9, $0xF7A;
	s5 =	simm.s32 @!p2 $0x0  }
0x1d: {  	s5 =	simm.s32 @p1 $0x1;
	p0 =	seq.s32 s7, s2  }
0x1e: {  	s7 =	smul.u32 @!p0 $0xF7A, s2;
	p2 =	seq.s32 @!p0 s5, $0x0  }
0x1f: {  	s9 =	smul.u32 $0xF7A, s1;
	s8 =	simm.s32 @!p0 $0x1BF5;
	p2 =	por !p2, p0  }
0x20: {  	[sflag:s8] =	ssyncset.s32 @!p0 $0xFFFFF086;
	s6 =	sadd.s32 @!p0 s3, s7;
	s7 =	simm.s32 @!p0 $0x108  }
0x21: {  	s3 =	sadd.s32 s3, s9;
	s6 =	sadd.s32 @!p0 $0x88, s6;
	s7 =	simm.s32 @p2 $0x1082  }
0x22: {  	[simem:s7], [sflag:s8] =	dma.local @!p0 [hbm:s6], $0xF7A  }
0x23: {  	s9 =	sor.u32 $0xD0000000, s2;
	s6 =	simm.s32 $0x108;
	_ =	swait.ge @!p0 [sflag:s8], $0x0  }
0x24: {  	s3 =	sadd.s32 $0x88, s3;
	s6 =	simm.s32 @!p1 $0x1082;
	[sflag:s4] =	ssyncset.s32 $0xFFFFF086  }
0x25: {  	[simem:s6], [sflag:s4] =	dma.local [hbm:s3], $0xF7A  }
0x26: {  	[smem:$0x3F9C] =	sst s1;
	(tag) =	ssettag s2;
	_ =	strace s9  }
0x27: {  	s1 =	sld [smem:$0x3FAC]  }
0x28: {  	s2 =	sld [smem:$0x3FAD]  }
0x29: {  	s4 =	sld [smem:$0x3FAF]  }
0x2a: {  	p0 =	seq.s32 s5, $0x0;
	s5 =	sld [smem:$0x3FB0]  }
0x2b: {  	s6 =	sld [smem:$0x3FB1]  }
0x2c: {  	s7 =	sld [smem:$0x3FB2]  }
0x2d: {  	s3 =	simm.s32 $0x108;
	s8 =	sld [smem:$0x3FB3]  }
0x2e: {  	s3 =	simm.s32 @!p0 $0x1082;
	s9 =	sld [smem:$0x3FB4]  }
0x2f: {  	lr =	sadd.s32 s0, s3;
	s0 =	sld [smem:$0x3FAB]  }
0x30: {  	s3 =	sld [smem:$0x3FAE]  }
0x31: {  	[smem:$0x3FB7] =	sst s10  }
0x32: {  	s10 =	sld [smem:$0x3FB5];
	_ =	sdelay $0x3  }
0x33: {  	p0 =	seq.s32 s10, $0x1;
	s10 =	sld [smem:$0x3FB7];
	_ =	sdelay $0x3  }
0x34: {  	[smem:$0x3FB7] =	sst s10  }
0x35: {  	s10 =	sld [smem:$0x3FB6];
	_ =	sdelay $0x3  }
0x36: {  	p1 =	seq.s32 s10, $0x1;
	s10 =	sld [smem:$0x3FB7];
	_ =	sdelay $0x3  }
0x37: {  	[smem:$0x3FB7] =	sst s10  }
0x38: {  	s10 =	sld [smem:$0x3FB8]  }
0x39: {  	_ = 	snop;
	(pc) =	sbr.ind lr, $3  }
0x3a: {  	_ = 	snop  }
0x3b: {  	_ = 	snop  }
0x3c: {  	p2 =	seq.s32 s10, $0x1;
	s10 =	sld [smem:$0x3FB7]  }
0x3d: {  	_ =	shalt  }
0x3e: {  	_ =	shalt  }
0x3f: {  	_ =	shalt  }
0x40: {  	_ =	shalt  }
0x41: {  	_ =	shalt  }
0x42: {  	_ =	shalt  }
0x43: {  	_ =	shalt  }
0x44: {  	_ =	shalt  }
0x45: {  	_ =	shalt  }
0x46: {  	_ =	shalt  }
0x47: {  	_ =	shalt  }
0x48: {  	_ =	shalt  }
0x49: {  	_ =	shalt  }
0x4a: {  	_ =	shalt  }
0x4b: {  	_ =	shalt  }
0x4c: {  	_ =	shalt  }
0x4d: {  	_ =	shalt  }
0x4e: {  	_ =	shalt  }
0x4f: {  	_ =	shalt  }
0x50: {  	_ =	shalt  }
0x51: {  	_ =	shalt  }
0x52: {  	_ =	shalt  }
0x53: {  	_ =	shalt  }
0x54: {  	_ =	shalt  }
0x55: {  	_ =	shalt  }
0x56: {  	_ =	shalt  }
0x57: {  	_ =	shalt  }
0x58: {  	_ =	shalt  }
0x59: {  	_ =	shalt  }
0x5a: {  	_ =	shalt  }
0x5b: {  	_ =	shalt  }
0x5c: {  	_ =	shalt  }
0x5d: {  	_ =	shalt  }
0x5e: {  	_ =	shalt  }
0x5f: {  	_ =	shalt  }
0x60: {  	_ =	shalt  }
0x61: {  	_ =	shalt  }
0x62: {  	_ =	shalt  }
0x63: {  	_ =	shalt  }
0x64: {  	_ =	shalt  }
0x65: {  	_ =	shalt  }
0x66: {  	_ =	shalt  }
0x67: {  	_ =	shalt  }
0x68: {  	_ =	shalt  }
0x69: {  	_ =	shalt  }
0x6a: {  	_ =	shalt  }
0x6b: {  	_ =	shalt  }
0x6c: {  	_ =	shalt  }
0x6d: {  	_ =	shalt  }
0x6e: {  	_ =	shalt  }
0x6f: {  	_ =	shalt  }
0x70: {  	_ =	shalt  }
0x71: {  	_ =	shalt  }
0x72: {  	_ =	shalt  }
0x73: {  	_ =	shalt  }
0x74: {  	_ =	shalt  }
0x75: {  	_ =	shalt  }
0x76: {  	_ =	shalt  }
0x77: {  	_ =	shalt  }
0x78: {  	_ =	shalt  }
0x79: {  	_ =	shalt  }
0x7a: {  	_ =	shalt  }
0x7b: {  	_ =	shalt  }
0x7c: {  	_ =	shalt  }
0x7d: {  	_ =	shalt  }
0x7e: {  	_ =	shalt  }
0x7f: {  	_ =	shalt  }
0x80: {  	_ =	shalt  }
0x81: {  	_ =	shalt  }
0x82: {  	_ =	shalt  }
0x83: {  	_ =	shalt  }
0x84: {  	_ =	shalt  }
0x85: {  	_ =	shalt  }
0x86: {  	_ =	shalt  }
0x87: {  	_ =	shalt  }
.Lfunc_end0:
.L_simem_size_0:
called_computation_lowered:
.L_overlay_start_0:
0x88: {  	s2 =	sld [smem:$0x3FD9]  }
0x89: {  	s3 =	sld [smem:$0x3FFE];
	_ =	sdelay $0x1  }
0x8a: {  	s1 =	srdreg.scid  }
0x8b: {  	s0 =	sand.u32 $0x1, s1  }
0x8c: {  	s17 =	sshll.u32 s0, $0xA;
	s2 =	sadd.s32 s3, s2  }
0x8d: {  	s2 =	sadd.s32 s2, s17  }
0x8e: {  	[smem:$0x3FC3] =	sst s2  }
0x8f: {  	_ = 	snop  }
0x90: {  	s2 =	sld [smem:$0x3FD0];
	(tm) =	ssettm $0x1  }
0x91: {  	s18 =	sld [smem:$0x3FFB];
	_ =	sdelay $0x3  }
0x92: {  	_ =	strace s18  }
0x93: {  	s3 =	sld [smem:$0x3FFC];
	_ =	sdelay $0x3  }
0x94: {  	_ =	strace s3  }
0x95: {  	s3 =	sld [smem:$0x3FFD];
	_ =	sdelay $0x3  }
0x96: {  	_ =	strace s3  }
0x97: {  	_ =	strace $0x8FFFFFFF  }
0x98: {  	s19 =	sld [smem:$0x3FDB];
	_ =	sdelay $0x1  }
0x99: {  	s4 =	simm.s32 $_scs_section_size  }
0x9a: {  	s5 =	simm.s32 $_size__tile_overlayer_lowered;
	s6 =	simm.s32 $_tile_overlayer_lowered  }
0x9b: {  	s22 =	simm.s32 $0x1BFF;
	s21 =	sshll.u32 s6, $0x1;
	s3 =	sadd.s32 s4, s19  }
0x9c: {  	s7 =	simm.s32 $0x0;
	s20 =	sshll.u32 s5, $0x1;
	s5 =	sadd.s32 s21, s3  }
0x9d: {  	[timem:s7], [sflag:s22] =	dma.local [hbm:s5], s20  }
0x9e: {  	_ =	swait.ge [sflag:s22], s20  }
0x9f: {  	s4 =	ssub.s32 $0x0, s20;
	[sflag:s22] =	ssyncset.done $0x0  }
0xa0: {  	[sflag:s22] =	ssyncadd.s32 s4;
	_ =	sdelay $0x1  }
0xa1: {  	s23 =	simm.s32 $0x1B8B  }
0xa2: {  	_ =	swait.ge [sflag:s23], $0x1  }
0xa3: {  	[sflag:s23] =	ssyncset.done $0x0  }
0xa4: {  	s25 =	simm.s32 $0x1B8E;
	s24 =	sld [smem:$0x3FFE];
	[sflag:s23] =	ssyncadd.s32 $0xFFFFFFFF  }
0xa5: {  	s26 =	simm.s32 $execute0_lowered;
	[smem:$0x3FD2] =	sst s25  }
0xa6: {  	s5 =	sshll.u32 s26, $0x1;
	_ =	strace $0x80000046;
	[dreg:$0x1] =	wrdreg $0xFFFFFFFF  }
0xa7: {  	s28 =	simm.s32 $_size_execute0_lowered;
	s3 =	sadd.s32 s3, s5;
	[dreg:$0x0] =	wrdreg $0x0  }
0xa8: {  	s5 =	sshll.u32 s28, $0x1;
	[dreg:$0x2] =	wrdreg s3  }
0xa9: {  	[dreg:$0x3] =	wrdreg s5  }
0xaa: {  	[dreg:$0x4] =	wrdreg $0xC0  }
0xab: {  	_ =	task [dreg:s7], $0x5FFFF  }
0xac: {  	[dreg:$0x1] =	wrdreg $0xFFFFFFFF  }
0xad: {  	[dreg:$0x0] =	wrdreg $0x60  }
0xae: {  	[dreg:$0x2] =	wrdreg s24  }
0xaf: {  	[dreg:$0x3] =	wrdreg s2  }
0xb0: {  	[dreg:$0x4] =	wrdreg $0x9  }
0xb1: {  	_ =	task.clear_ibuf [dreg:s7], $0x5FFFF;
	_ =	strace $0x90000046  }
0xb2: {  	s29 =	simm.s32 $0x9;
	_ =	strace $0x80000048  }
0xb3: {  	_ =	swait.ge [sflag:s29], $0x1  }
0xb4: {  	[sflag:s29] =	ssyncadd.s32 $0xFFFFFFFF  }
0xb5: {  	_ =	strace $0x90000048  }
0xb6: {  	_ =	sfence  }
0xb7: {  	s30 =	sld [smem:$0x0];
	_ =	sdelay $0x2  }
0xb8: {  	s31 =	sshll.u32 s1, $0xD;
	s1 =	sshrl.u32 s1, $0x2  }
0xb9: {  	s3 =	sand.u32 $0x4000, s31;
	s1 =	sadd.s32 s1, s30  }
0xba: {  	s0 =	sor.u32 s3, s0;
	s1 =	sshll.u32 s1, $0x11  }
0xbb: {  	s0 =	sor.u32 s1, s0  }
0xbc: {  	s0 =	sadd.s32 $0x8F2B, s0  }
0xbd: {  	[sflag:s0] =	ssyncadd.remote.s32 $0x1  }
0xbe: {  	_ =	sfence.sel $0xFFFF  }
0xbf: {  	[dreg:$0x0] =	wrdreg $0xFFFFFFFF;
	(pc) =	sbr.abs _section_cstart, $3  }
0xc0: {  	[dreg:$0x1] =	wrdreg $0xFFFFFFFF  }
0xc1: {  	_ =	task.clear_ibuf [dreg:s7], $0x2FFFF;
	_ =	strace $0x9FFFFFFF  }
0xc2: {  	(tm) =	ssettm $0x7FFFFFFF  }
0xc3: {  	_ =	shalt  }
tec
execute0_lowered:
.L_overlay_start_1:
0x0: {  	(tag) =	ssettag $0x1  }
0x1: {  	s0 =	srdreg.scid  }
0x2: {  	s2 =	stileid.u32;
	s1 =	rddreg [dreg:$0x0]  }
0x3: {  	s4 =	rddreg [dreg:$0x1];
	s10 =	simm.s32 $0x2;
	s12 =	simm.s32 $0x10  }
0x4: {  	s13 =	simm.s32 $0x5A00;
	s14 =	simm.s32 $0x6200;
	s15 =	simm.s32 $0x6A00  }
0x5: {  	s16 =	simm.s32 $0x7200;
	s17 =	simm.s32 $0x7A00;
	s18 =	simm.s32 $0x8200  }
0x6: {  	s19 =	simm.s32 $0x8A00;
	s20 =	simm.s32 $0x9200;
	s21 =	simm.s32 $0x9A00  }
0x7: {  	s22 =	simm.s32 $0xA200;
	s26 =	simm.s32 $0x1C00;
	s23 =	simm.s32 $0xAA00  }
0x8: {  	s28 =	simm.s32 $0x1;
	s29 =	simm.s32 $0x400;
	s0 =	sand.u32 $0x1, s0  }
0x9: {  	s30 =	simm.s32 $0x5000;
	s2 =	sshll.u32 s2, $0xA;
	s3 =	sshll.u32 s0, $0x9  }
0xa: {  	s31 =	simm.s32 $0x0;
	s0 =	ssub.s32 $0x2, s0;
	s5 =	sor.u32 s3, s2  }
0xb: {  	s2 =	simm.s32 $0x0;
	s8 =	sshrl.u32 s0, $0x1;
	s6 =	sshrl.u32 s5, $0x3  }
0xc: {  	[smem:$0x7FF] =	sst s2;
	s0 =	ssub.s32 s0, s8;
	s5 =	sadd.s32 s1, s5  }
0xd: {  	s7 =	smul.u32 $0xA00, s6;
	_ =	strace $0x80000047;
	[dreg:$0x5] =	wrdreg s5  }
0xe: {  	s24 =	smul.u32 $0x380, s6;
	s5 =	sadd.s32 $0x8000, s5;
	[dreg:$0x4] =	wrdreg s26  }
0xf: {  	s3 =	sadd.s32 $0x10000, s1;
	s0 =	smax.u32 s0, $0x1;
	[dreg:$0x6] =	wrdreg s5  }
0x10: {  	[dreg:$0x7] =	wrdreg s0;
	s7 =	sadd.s32 s7, s1;
	s1 =	sadd.s32 s24, s4  }
0x11: {  	s26 =	simm.s32 $0xC200;
	s25 =	sadd.s32 $0x12C00, s7;
	[dreg:$0x8] =	wrdreg s1  }
0x12: {  	s24 =	simm.s32 $0xB200;
	[dreg:$0x3] =	wrdreg s25;
	s25 =	simm.s32 $0xBA00  }
.LBB2_1:
0x13: {  	s0 =	rddreg [dreg:$0x6];
	s1 =	simm.s32 $0x1000;
	s4 =	simm.s32 $0x20000  }
0x14: {  	[tilespmem:s2], [sflag:$0x2] =	stream.strided.gather [hbm4b:s0+s1], $0x2000, s4, s1, $0x38;
	[tilespmem:$0xFA00] =	vst v63  }
0x15: {  	_ =	swait.ge [sflag:s10], $0x2000  }
0x16: {  	[sflag:s10] =	ssyncset.done $0x0  }
0x17: {  	s5 =	simm.s32 $0x2000;
	s11 =	rddreg [dreg:$0x5];
	[sflag:s10] =	ssyncadd.s32 $0xFFFFE000  }
0x18: {  	[tilespmem:s5], [sflag:$0x2] =	stream.strided.gather [hbm4b:s11+s1], $0x2000, s4, s1, $0x38;
	[tilespmem:$0xFA00] =	vst v63  }
0x19: {  	_ =	swait.ge [sflag:s10], $0x2000  }
0x1a: {  	s6 =	sand.u32 $0xC00, s2;
	s5 =	sand.u32 $0x70, s2;
	[sflag:s10] =	ssyncset.done $0x0  }
0x1b: {  	s1 =	sor.u32 s5, s6;
	[sflag:s10] =	ssyncadd.s32 $0xFFFFE000  }
0x1c: {  	v0 =	vld [tilespmem:s1+$0x0];
	_ =	sdelay $0x1  }
0x1d: {  	v1 =	vld [tilespmem:s1+$0x2000];
	_ =	sdelay $0x2  }
0x1e: {  	v0 =	vmul.u32 $0x1A, v0;
	_ =	sdelay $0x1  }
0x1f: {  	s0 =	simm.s32 $0x4000;
	v0 =	vadd.s32 v1, v0  }
0x20: {  	[tilespmem:s0+$0x0] =	vst v0  }
0x21: {  	v0 =	vld [tilespmem:s1+$0x80];
	_ =	sdelay $0x1  }
0x22: {  	v1 =	vld [tilespmem:s1+$0x2080];
	_ =	sdelay $0x2  }
0x23: {  	v0 =	vmul.u32 $0x1A, v0;
	_ =	sdelay $0x1  }
0x24: {  	s8 =	sand.u32 $0x1F0, s2;
	v0 =	vadd.s32 v1, v0  }
0x25: {  	[tilespmem:s8+$0x4200] =	vst v0  }
0x26: {  	v0 =	vld [tilespmem:s1+$0x100];
	_ =	sdelay $0x1  }
0x27: {  	v1 =	vld [tilespmem:s1+$0x2100];
	_ =	sdelay $0x2  }
0x28: {  	v0 =	vmul.u32 $0x1A, v0  }
0x29: {  	s7 =	sand.u32 $0xFFFFFC00, s2  }
0x2a: {  	s4 =	sadd.s32 $0x0, s7;
	v0 =	vadd.s32 v1, v0  }
0x2b: {  	s9 =	sor.u32 $0x180, s4;
	[tilespmem:s8+$0x4400] =	vst v0  }
0x2c: {  	v0 =	vld [tilespmem:s9+$0x0];
	_ =	sdelay $0x1  }
0x2d: {  	v1 =	vld [tilespmem:s9+$0x2000];
	_ =	sdelay $0x2  }
0x2e: {  	v0 =	vmul.u32 $0x1A, v0;
	_ =	sdelay $0x1  }
0x2f: {  	v0 =	vadd.s32 v1, v0  }
0x30: {  	[tilespmem:s8+$0x4600] =	vst v0  }
0x31: {  	v0 =	vld [tilespmem:s1+$0x200];
	_ =	sdelay $0x1  }
0x32: {  	v1 =	vld [tilespmem:s1+$0x2200];
	_ =	sdelay $0x2  }
0x33: {  	v0 =	vmul.u32 $0x1A, v0;
	_ =	sdelay $0x1  }
0x34: {  	v0 =	vadd.s32 v1, v0  }
0x35: {  	[tilespmem:s8+$0x4800] =	vst v0  }
0x36: {  	v0 =	vld [tilespmem:s1+$0x280];
	_ =	sdelay $0x1  }
0x37: {  	v1 =	vld [tilespmem:s1+$0x2280];
	_ =	sdelay $0x2  }
0x38: {  	v0 =	vmul.u32 $0x1A, v0;
	_ =	sdelay $0x1  }
0x39: {  	v0 =	vadd.s32 v1, v0  }
0x3a: {  	[tilespmem:s8+$0x4A00] =	vst v0  }
0x3b: {  	v0 =	vld [tilespmem:s1+$0x300];
	_ =	sdelay $0x1  }
0x3c: {  	v1 =	vld [tilespmem:s1+$0x2300];
	_ =	sdelay $0x2  }
0x3d: {  	v0 =	vmul.u32 $0x1A, v0;
	_ =	sdelay $0x1  }
0x3e: {  	s11 =	sor.u32 s2, s2;
	v0 =	vadd.s32 v1, v0  }
0x3f: {  	s5 =	sor.u32 $0x380, s11;
	[tilespmem:s8+$0x4C00] =	vst v0  }
0x40: {  	v0 =	vld [tilespmem:s5+$0x0];
	_ =	sdelay $0x1  }
0x41: {  	v1 =	vld [tilespmem:s5+$0x2000];
	_ =	sdelay $0x2  }
0x42: {  	v0 =	vmul.u32 $0x1A, v0;
	_ =	sdelay $0x1  }
0x43: {  	v0 =	vadd.s32 v1, v0  }
0x44: {  	[tilespmem:s8+$0x4E00] =	vst v0  }
0x45: {  	v0 =	vld [tilespmem:s1+$0x1000];
	_ =	sdelay $0x1  }
0x46: {  	v1 =	vld [tilespmem:s1+$0x3000];
	_ =	sdelay $0x2  }
0x47: {  	v0 =	vmul.u32 $0x1A, v0;
	_ =	sdelay $0x1  }
0x48: {  	v0 =	vadd.s32 v1, v0  }
0x49: {  	[tilespmem:s8+$0x5000] =	vst v0  }
0x4a: {  	v0 =	vld [tilespmem:s1+$0x1080];
	_ =	sdelay $0x1  }
0x4b: {  	v1 =	vld [tilespmem:s1+$0x3080];
	_ =	sdelay $0x2  }
0x4c: {  	v0 =	vmul.u32 $0x1A, v0;
	_ =	sdelay $0x1  }
0x4d: {  	v0 =	vadd.s32 v1, v0  }
0x4e: {  	[tilespmem:s8+$0x5200] =	vst v0  }
0x4f: {  	v0 =	vld [tilespmem:s1+$0x1100];
	_ =	sdelay $0x1  }
0x50: {  	v1 =	vld [tilespmem:s1+$0x3100];
	_ =	sdelay $0x2  }
0x51: {  	v0 =	vmul.u32 $0x1A, v0;
	_ =	sdelay $0x1  }
0x52: {  	v0 =	vadd.s32 v1, v0  }
0x53: {  	s4 =	sor.u32 $0x1180, s4;
	[tilespmem:s8+$0x5400] =	vst v0  }
0x54: {  	v0 =	vld [tilespmem:s4+$0x0];
	_ =	sdelay $0x1  }
0x55: {  	v1 =	vld [tilespmem:s4+$0x2000];
	_ =	sdelay $0x2  }
0x56: {  	v0 =	vmul.u32 $0x1A, v0;
	_ =	sdelay $0x1  }
0x57: {  	v0 =	vadd.s32 v1, v0  }
0x58: {  	[tilespmem:s8+$0x5600] =	vst v0  }
0x59: {  	v0 =	vld [tilespmem:s1+$0x1200];
	_ =	sdelay $0x1  }
0x5a: {  	v1 =	vld [tilespmem:s1+$0x3200];
	_ =	sdelay $0x2  }
0x5b: {  	v0 =	vmul.u32 $0x1A, v0  }
0x5c: {  	s7 =	simm.s32 $0x80;
	s1 =	simm.s32 $0x10  }
0x5d: {  	s6 =	simm.s32 $0x20;
	s5 =	sand.u32 $0xC00, s7;
	s4 =	sand.u32 $0x70, s1;
	v0 =	vadd.s32 v1, v0  }
.LBB2_2:
0x5e: {  	s5 =	sor.u32 s4, s5  }
0x5f: {  	[tilespmem:s8+$0x5800] =	vst v0;
	s0 =	sadd.s32 $0x10, s0;
	s4 =	smov.u32 s6;
	s9 =	sadd.s32 $0x10, s6  }
0x60: {  	p0 =	sne.s32 s6, $0x1F0;
	v0 =	vld [tilespmem:s5+$0x0];
	_ =	sdelay $0x1  }
0x61: {  	v1 =	vld [tilespmem:s5+$0x2000];
	_ =	sdelay $0x2  }
0x62: {  	v0 =	vmul.u32 $0x1A, v0;
	_ =	sdelay $0x1  }
0x63: {  	v0 =	vadd.s32 v1, v0  }
0x64: {  	[tilespmem:s0+$0x0] =	vst v0  }
0x65: {  	v0 =	vld [tilespmem:s5+$0x80];
	_ =	sdelay $0x1  }
0x66: {  	v1 =	vld [tilespmem:s5+$0x2080];
	_ =	sdelay $0x2  }
0x67: {  	v0 =	vmul.u32 $0x1A, v0;
	_ =	sdelay $0x1  }
0x68: {  	s8 =	sand.u32 $0x1F0, s1;
	v0 =	vadd.s32 v1, v0  }
0x69: {  	[tilespmem:s8+$0x4200] =	vst v0  }
0x6a: {  	v0 =	vld [tilespmem:s5+$0x100];
	_ =	sdelay $0x1  }
0x6b: {  	v1 =	vld [tilespmem:s5+$0x2100];
	_ =	sdelay $0x2  }
0x6c: {  	v0 =	vmul.u32 $0x1A, v0  }
0x6d: {  	s6 =	sand.u32 $0xFFFFFC00, s7  }
0x6e: {  	s6 =	sadd.s32 s6, s1;
	v0 =	vadd.s32 v1, v0  }
0x6f: {  	s11 =	sor.u32 $0x180, s6;
	[tilespmem:s8+$0x4400] =	vst v0  }
0x70: {  	v0 =	vld [tilespmem:s11+$0x0];
	_ =	sdelay $0x1  }
0x71: {  	v1 =	vld [tilespmem:s11+$0x2000];
	_ =	sdelay $0x2  }
0x72: {  	v0 =	vmul.u32 $0x1A, v0;
	_ =	sdelay $0x1  }
0x73: {  	v0 =	vadd.s32 v1, v0  }
0x74: {  	[tilespmem:s8+$0x4600] =	vst v0  }
0x75: {  	v0 =	vld [tilespmem:s5+$0x200];
	_ =	sdelay $0x1  }
0x76: {  	v1 =	vld [tilespmem:s5+$0x2200];
	_ =	sdelay $0x2  }
0x77: {  	v0 =	vmul.u32 $0x1A, v0;
	_ =	sdelay $0x1  }
0x78: {  	v0 =	vadd.s32 v1, v0  }
0x79: {  	[tilespmem:s8+$0x4800] =	vst v0  }
0x7a: {  	v0 =	vld [tilespmem:s5+$0x280];
	_ =	sdelay $0x1  }
0x7b: {  	v1 =	vld [tilespmem:s5+$0x2280];
	_ =	sdelay $0x2  }
0x7c: {  	v0 =	vmul.u32 $0x1A, v0;
	_ =	sdelay $0x1  }
0x7d: {  	v0 =	vadd.s32 v1, v0  }
0x7e: {  	[tilespmem:s8+$0x4A00] =	vst v0  }
0x7f: {  	v0 =	vld [tilespmem:s5+$0x300];
	_ =	sdelay $0x1  }
0x80: {  	v1 =	vld [tilespmem:s5+$0x2300];
	_ =	sdelay $0x2  }
0x81: {  	v0 =	vmul.u32 $0x1A, v0;
	_ =	sdelay $0x1  }
0x82: {  	s11 =	sor.u32 s7, s1;
	s1 =	smov.u32 s4;
	v0 =	vadd.s32 v1, v0  }
0x83: {  	s4 =	sor.u32 $0x380, s11;
	[tilespmem:s8+$0x4C00] =	vst v0  }
0x84: {  	v0 =	vld [tilespmem:s4+$0x0];
	_ =	sdelay $0x1  }
0x85: {  	v1 =	vld [tilespmem:s4+$0x2000];
	_ =	sdelay $0x2  }
0x86: {  	v0 =	vmul.u32 $0x1A, v0;
	_ =	sdelay $0x1  }
0x87: {  	v0 =	vadd.s32 v1, v0  }
0x88: {  	[tilespmem:s8+$0x4E00] =	vst v0  }
0x89: {  	v0 =	vld [tilespmem:s5+$0x1000]  }
0x8a: {  	v1 =	vld [tilespmem:s5+$0x3000];
	_ =	sdelay $0x3  }
0x8b: {  	v0 =	vmul.u32 $0x1A, v0;
	_ =	sdelay $0x1  }
0x8c: {  	v0 =	vadd.s32 v1, v0  }
0x8d: {  	[tilespmem:s8+$0x5000] =	vst v0  }
0x8e: {  	v0 =	vld [tilespmem:s5+$0x1080]  }
0x8f: {  	v1 =	vld [tilespmem:s5+$0x3080];
	_ =	sdelay $0x3  }
0x90: {  	v0 =	vmul.u32 $0x1A, v0;
	_ =	sdelay $0x1  }
0x91: {  	v0 =	vadd.s32 v1, v0  }
0x92: {  	[tilespmem:s8+$0x5200] =	vst v0  }
0x93: {  	v0 =	vld [tilespmem:s5+$0x1100]  }
0x94: {  	v1 =	vld [tilespmem:s5+$0x3100];
	_ =	sdelay $0x3  }
0x95: {  	v0 =	vmul.u32 $0x1A, v0;
	_ =	sdelay $0x1  }
0x96: {  	v0 =	vadd.s32 v1, v0  }
0x97: {  	s4 =	sor.u32 $0x1180, s6;
	[tilespmem:s8+$0x5400] =	vst v0  }
0x98: {  	v0 =	vld [tilespmem:s4+$0x0]  }
0x99: {  	v1 =	vld [tilespmem:s4+$0x2000];
	_ =	sdelay $0x3  }
0x9a: {  	v0 =	vmul.u32 $0x1A, v0;
	_ =	sdelay $0x1  }
0x9b: {  	v0 =	vadd.s32 v1, v0  }
0x9c: {  	[tilespmem:s8+$0x5600] =	vst v0  }
0x9d: {  	v0 =	vld [tilespmem:s5+$0x1200]  }
0x9e: {  	v1 =	vld [tilespmem:s5+$0x3200];
	_ =	sdelay $0x1  }
.Ltmp0:
0x9f: {  	(pc) =	sbr.rel @p0 .LBB2_2-.Ltmp0, $4  }
0xa0: {  	_ = 	snop  }
0xa1: {  	v0 =	vmul.u32 $0x1A, v0  }
0xa2: {  	s7 =	sadd.s32 $0x80, s7  }
0xa3: {  	s6 =	smov.u32 s9;
	s4 =	sand.u32 $0x70, s1;
	s5 =	sand.u32 $0xC00, s7;
	v0 =	vadd.s32 v1, v0  }
0xa4: {  	s4 =	sor.u32 s4, s5;
	[tilespmem:s8+$0x5800] =	vst v0  }
0xa5: {  	v0 =	vld [tilespmem:s4+$0x0];
	_ =	sdelay $0x1  }
0xa6: {  	v1 =	vld [tilespmem:s4+$0x2000];
	_ =	sdelay $0x2  }
0xa7: {  	v0 =	vmul.u32 $0x1A, v0;
	_ =	sdelay $0x1  }
0xa8: {  	s0 =	sadd.s32 $0x10, s0;
	v0 =	vadd.s32 v1, v0  }
0xa9: {  	[tilespmem:s0+$0x0] =	vst v0  }
0xaa: {  	v0 =	vld [tilespmem:s4+$0x80];
	_ =	sdelay $0x1  }
0xab: {  	v52 =	vld [tilespmem:s4+$0x2080];
	_ =	sdelay $0x2  }
0xac: {  	v0 =	vmul.u32 $0x1A, v0;
	_ =	sdelay $0x1  }
0xad: {  	s0 =	sand.u32 $0x1F0, s1;
	v0 =	vadd.s32 v52, v0  }
0xae: {  	[tilespmem:s0+$0x4200] =	vst v0  }
0xaf: {  	v0 =	vld [tilespmem:s4+$0x100];
	_ =	sdelay $0x1  }
0xb0: {  	v53 =	vld [tilespmem:s4+$0x2100];
	_ =	sdelay $0x2  }
0xb1: {  	v0 =	vmul.u32 $0x1A, v0  }
0xb2: {  	s8 =	sand.u32 $0xFFFFFC00, s7  }
0xb3: {  	s5 =	sadd.s32 s8, s1;
	v0 =	vadd.s32 v53, v0  }
0xb4: {  	s6 =	sor.u32 $0x180, s5;
	[tilespmem:s0+$0x4400] =	vst v0  }
0xb5: {  	v0 =	vld [tilespmem:s6+$0x0];
	_ =	sdelay $0x1  }
0xb6: {  	v54 =	vld [tilespmem:s6+$0x2000];
	_ =	sdelay $0x2  }
0xb7: {  	v0 =	vmul.u32 $0x1A, v0;
	_ =	sdelay $0x1  }
0xb8: {  	v0 =	vadd.s32 v54, v0  }
0xb9: {  	[tilespmem:s0+$0x4600] =	vst v0  }
0xba: {  	v0 =	vld [tilespmem:s4+$0x200];
	_ =	sdelay $0x1  }
0xbb: {  	v55 =	vld [tilespmem:s4+$0x2200];
	_ =	sdelay $0x2  }
0xbc: {  	v0 =	vmul.u32 $0x1A, v0;
	_ =	sdelay $0x1  }
0xbd: {  	v0 =	vadd.s32 v55, v0  }
0xbe: {  	[tilespmem:s0+$0x4800] =	vst v0  }
0xbf: {  	v0 =	vld [tilespmem:s4+$0x280];
	_ =	sdelay $0x1  }
0xc0: {  	v56 =	vld [tilespmem:s4+$0x2280];
	_ =	sdelay $0x2  }
0xc1: {  	v0 =	vmul.u32 $0x1A, v0;
	_ =	sdelay $0x1  }
0xc2: {  	v0 =	vadd.s32 v56, v0  }
0xc3: {  	[tilespmem:s0+$0x4A00] =	vst v0  }
0xc4: {  	v0 =	vld [tilespmem:s4+$0x300];
	_ =	sdelay $0x1  }
0xc5: {  	v57 =	vld [tilespmem:s4+$0x2300];
	_ =	sdelay $0x2  }
0xc6: {  	v0 =	vmul.u32 $0x1A, v0;
	_ =	sdelay $0x1  }
0xc7: {  	s9 =	sor.u32 s7, s1;
	v0 =	vadd.s32 v57, v0  }
0xc8: {  	s1 =	sor.u32 $0x380, s9;
	[tilespmem:s0+$0x4C00] =	vst v0  }
0xc9: {  	v0 =	vld [tilespmem:s1+$0x0];
	_ =	sdelay $0x1  }
0xca: {  	v58 =	vld [tilespmem:s1+$0x2000];
	_ =	sdelay $0x2  }
0xcb: {  	v0 =	vmul.u32 $0x1A, v0;
	_ =	sdelay $0x1  }
0xcc: {  	v0 =	vadd.s32 v58, v0  }
0xcd: {  	[tilespmem:s0+$0x4E00] =	vst v0  }
0xce: {  	v0 =	vld [tilespmem:s4+$0x1000];
	_ =	sdelay $0x1  }
0xcf: {  	v59 =	vld [tilespmem:s4+$0x3000];
	_ =	sdelay $0x2  }
0xd0: {  	v0 =	vmul.u32 $0x1A, v0;
	_ =	sdelay $0x1  }
0xd1: {  	v0 =	vadd.s32 v59, v0  }
0xd2: {  	[tilespmem:s0+$0x5000] =	vst v0  }
0xd3: {  	v0 =	vld [tilespmem:s4+$0x1080];
	_ =	sdelay $0x1  }
0xd4: {  	v60 =	vld [tilespmem:s4+$0x3080];
	_ =	sdelay $0x2  }
0xd5: {  	v0 =	vmul.u32 $0x1A, v0;
	_ =	sdelay $0x1  }
0xd6: {  	v0 =	vadd.s32 v60, v0  }
0xd7: {  	[tilespmem:s0+$0x5200] =	vst v0  }
0xd8: {  	v0 =	vld [tilespmem:s4+$0x1100];
	_ =	sdelay $0x1  }
0xd9: {  	v61 =	vld [tilespmem:s4+$0x3100];
	_ =	sdelay $0x2  }
0xda: {  	v0 =	vmul.u32 $0x1A, v0;
	_ =	sdelay $0x1  }
0xdb: {  	v0 =	vadd.s32 v61, v0  }
0xdc: {  	s11 =	sor.u32 $0x1180, s5;
	[tilespmem:s0+$0x5400] =	vst v0  }
0xdd: {  	v0 =	vld [tilespmem:s11+$0x0];
	_ =	sdelay $0x1  }
0xde: {  	v62 =	vld [tilespmem:s11+$0x2000];
	_ =	sdelay $0x2  }
0xdf: {  	v0 =	vmul.u32 $0x1A, v0;
	_ =	sdelay $0x1  }
0xe0: {  	v0 =	vadd.s32 v62, v0  }
0xe1: {  	[tilespmem:s0+$0x5600] =	vst v0  }
0xe2: {  	v0 =	vld [tilespmem:s4+$0x1200];
	_ =	sdelay $0x1  }
0xe3: {  	v63 =	vld [tilespmem:s4+$0x3200];
	_ =	sdelay $0x2  }
0xe4: {  	v0 =	vmul.u32 $0x1A, v0;
	_ =	sdelay $0x1  }
0xe5: {  	v0 =	vadd.s32 v63, v0  }
0xe6: {  	s4 =	simm.s32 $0x4000;
	[tilespmem:s0+$0x5800] =	vst v0  }
0xe7: {  	[tilespmem:s13], [sflag:$0x1] =	stream.indirect.gather [hbm4b:s3+s12], $0x80, s4, s12, $0xb8;
	[tilespmem:$0xFA00] =	vst v63  }
0xe8: {  	s5 =	simm.s32 $0x4200  }
0xe9: {  	[tilespmem:s14], [sflag:$0x1] =	stream.indirect.gather [hbm4b:s3+s12], $0x80, s5, s12, $0xb8;
	[tilespmem:$0xFA00] =	vst v63  }
0xea: {  	s6 =	simm.s32 $0x4400  }
0xeb: {  	[tilespmem:s15], [sflag:$0x1] =	stream.indirect.gather [hbm4b:s3+s12], $0x80, s6, s12, $0xb8;
	[tilespmem:$0xFA00] =	vst v63  }
0xec: {  	s7 =	simm.s32 $0x4600  }
0xed: {  	[tilespmem:s16], [sflag:$0x1] =	stream.indirect.gather [hbm4b:s3+s12], $0x80, s7, s12, $0xb8;
	[tilespmem:$0xFA00] =	vst v63  }
0xee: {  	s8 =	simm.s32 $0x4800  }
0xef: {  	[tilespmem:s17], [sflag:$0x1] =	stream.indirect.gather [hbm4b:s3+s12], $0x80, s8, s12, $0xb8;
	[tilespmem:$0xFA00] =	vst v63  }
0xf0: {  	s9 =	simm.s32 $0x4A00  }
0xf1: {  	[tilespmem:s18], [sflag:$0x1] =	stream.indirect.gather [hbm4b:s3+s12], $0x80, s9, s12, $0xb8;
	[tilespmem:$0xFA00] =	vst v63  }
0xf2: {  	s11 =	simm.s32 $0x4C00  }
0xf3: {  	[tilespmem:s19], [sflag:$0x1] =	stream.indirect.gather [hbm4b:s3+s12], $0x80, s11, s12, $0xb8;
	[tilespmem:$0xFA00] =	vst v63  }
0xf4: {  	s1 =	simm.s32 $0x4E00  }
0xf5: {  	[tilespmem:s20], [sflag:$0x1] =	stream.indirect.gather [hbm4b:s3+s12], $0x80, s1, s12, $0xb8;
	[tilespmem:$0xFA00] =	vst v63  }
0xf6: {  	s4 =	simm.s32 $0x5000  }
0xf7: {  	[tilespmem:s21], [sflag:$0x1] =	stream.indirect.gather [hbm4b:s3+s12], $0x80, s4, s12, $0xb8;
	[tilespmem:$0xFA00] =	vst v63  }
0xf8: {  	s5 =	simm.s32 $0x5200  }
0xf9: {  	[tilespmem:s22], [sflag:$0x1] =	stream.indirect.gather [hbm4b:s3+s12], $0x80, s5, s12, $0xb8;
	[tilespmem:$0xFA00] =	vst v63  }
0xfa: {  	s6 =	simm.s32 $0x5400  }
0xfb: {  	[tilespmem:s23], [sflag:$0x1] =	stream.indirect.gather [hbm4b:s3+s12], $0x80, s6, s12, $0xb8;
	[tilespmem:$0xFA00] =	vst v63  }
0xfc: {  	s7 =	simm.s32 $0x5600  }
0xfd: {  	[tilespmem:s24], [sflag:$0x1] =	stream.indirect.gather [hbm4b:s3+s12], $0x80, s7, s12, $0xb8;
	[tilespmem:$0xFA00] =	vst v63  }
0xfe: {  	s8 =	simm.s32 $0x5800  }
0xff: {  	[tilespmem:s25], [sflag:$0x1] =	stream.indirect.gather [hbm4b:s3+s12], $0x80, s8, s12, $0xb8;
	[tilespmem:$0xFA00] =	vst v63  }
0x100: {  	s7 =	rddreg [dreg:$0x8]  }
0x101: {  	[tilespmem:s26], [sflag:$0x1] =	stream.linear.gather [hbm4b:s7+s2], $0x3800, $0x38;
	[tilespmem:$0xFA00] =	vst v63  }
0x102: {  	_ =	swait.ge [sflag:s28], $0x800  }
0x103: {  	[sflag:s28] =	ssyncset.done $0x0  }
0x104: {  	[sflag:s28] =	ssyncadd.s32 $0xFFFFF800  }
0x105: {  	_ =	swait.ge [sflag:s28], $0x800  }
0x106: {  	[sflag:s28] =	ssyncset.done $0x0  }
0x107: {  	[sflag:s28] =	ssyncadd.s32 $0xFFFFF800  }
0x108: {  	_ =	swait.ge [sflag:s28], $0x800  }
0x109: {  	[sflag:s28] =	ssyncset.done $0x0  }
0x10a: {  	[sflag:s28] =	ssyncadd.s32 $0xFFFFF800  }
0x10b: {  	_ =	swait.ge [sflag:s28], $0x800  }
0x10c: {  	[sflag:s28] =	ssyncset.done $0x0  }
0x10d: {  	[sflag:s28] =	ssyncadd.s32 $0xFFFFF800  }
0x10e: {  	_ =	swait.ge [sflag:s28], $0x800  }
0x10f: {  	[sflag:s28] =	ssyncset.done $0x0  }
0x110: {  	[sflag:s28] =	ssyncadd.s32 $0xFFFFF800  }
0x111: {  	_ =	swait.ge [sflag:s28], $0x800  }
0x112: {  	[sflag:s28] =	ssyncset.done $0x0  }
0x113: {  	[sflag:s28] =	ssyncadd.s32 $0xFFFFF800  }
0x114: {  	_ =	swait.ge [sflag:s28], $0x800  }
0x115: {  	[sflag:s28] =	ssyncset.done $0x0  }
0x116: {  	[sflag:s28] =	ssyncadd.s32 $0xFFFFF800  }
0x117: {  	_ =	swait.ge [sflag:s28], $0x800  }
0x118: {  	[sflag:s28] =	ssyncset.done $0x0  }
0x119: {  	[sflag:s28] =	ssyncadd.s32 $0xFFFFF800  }
0x11a: {  	_ =	swait.ge [sflag:s28], $0x800  }
0x11b: {  	[sflag:s28] =	ssyncset.done $0x0  }
0x11c: {  	[sflag:s28] =	ssyncadd.s32 $0xFFFFF800  }
0x11d: {  	_ =	swait.ge [sflag:s28], $0x800  }
0x11e: {  	[sflag:s28] =	ssyncset.done $0x0  }
0x11f: {  	[sflag:s28] =	ssyncadd.s32 $0xFFFFF800  }
0x120: {  	_ =	swait.ge [sflag:s28], $0x800  }
0x121: {  	[sflag:s28] =	ssyncset.done $0x0  }
0x122: {  	[sflag:s28] =	ssyncadd.s32 $0xFFFFF800  }
0x123: {  	_ =	swait.ge [sflag:s28], $0x800  }
0x124: {  	[sflag:s28] =	ssyncset.done $0x0  }
0x125: {  	[sflag:s28] =	ssyncadd.s32 $0xFFFFF800  }
0x126: {  	_ =	swait.ge [sflag:s28], $0x800  }
0x127: {  	[sflag:s28] =	ssyncset.done $0x0  }
0x128: {  	[sflag:s28] =	ssyncadd.s32 $0xFFFFF800  }
0x129: {  	_ =	swait.ge [sflag:s28], $0x3800  }
0x12a: {  	s9 =	rddreg [dreg:$0x3];
	[sflag:s28] =	ssyncset.done $0x0  }
0x12b: {  	[sflag:s28] =	ssyncadd.s32 $0xFFFFC800;
	s0 =	sadd.s32 $0x0, s9  }
0x12c: {  	[hbm4b:s0+s29] =	stream.strided.scatter [tilespmem:s13], [sflag:$0x1], $0x800, s30, s29, $0x38;
	[tilespmem:$0xFA00] =	vst v63  }
0x12d: {  	s11 =	sadd.s32 $0x80, s0  }
0x12e: {  	[hbm4b:s11+s29] =	stream.strided.scatter [tilespmem:s14], [sflag:$0x1], $0x800, s30, s29, $0x38;
	[tilespmem:$0xFA00] =	vst v63  }
0x12f: {  	s4 =	sadd.s32 $0x100, s0  }
0x130: {  	[hbm4b:s4+s29] =	stream.strided.scatter [tilespmem:s15], [sflag:$0x1], $0x800, s30, s29, $0x38;
	[tilespmem:$0xFA00] =	vst v63  }
0x131: {  	s5 =	sadd.s32 $0x180, s0  }
0x132: {  	[hbm4b:s5+s29] =	stream.strided.scatter [tilespmem:s16], [sflag:$0x1], $0x800, s30, s29, $0x38;
	[tilespmem:$0xFA00] =	vst v63  }
0x133: {  	s6 =	sadd.s32 $0x200, s0  }
0x134: {  	[hbm4b:s6+s29] =	stream.strided.scatter [tilespmem:s17], [sflag:$0x1], $0x800, s30, s29, $0x38;
	[tilespmem:$0xFA00] =	vst v63  }
0x135: {  	s8 =	sadd.s32 $0x280, s0  }
0x136: {  	[hbm4b:s8+s29] =	stream.strided.scatter [tilespmem:s18], [sflag:$0x1], $0x800, s30, s29, $0x38;
	[tilespmem:$0xFA00] =	vst v63  }
0x137: {  	s9 =	sadd.s32 $0x300, s0  }
0x138: {  	[hbm4b:s9+s29] =	stream.strided.scatter [tilespmem:s19], [sflag:$0x1], $0x800, s30, s29, $0x38;
	[tilespmem:$0xFA00] =	vst v63  }
0x139: {  	s11 =	sadd.s32 $0x380, s0  }
0x13a: {  	[hbm4b:s11+s29] =	stream.strided.scatter [tilespmem:s20], [sflag:$0x1], $0x800, s30, s29, $0x38;
	[tilespmem:$0xFA00] =	vst v63  }
0x13b: {  	s4 =	sadd.s32 $0x400, s0  }
0x13c: {  	[hbm4b:s4+s29] =	stream.strided.scatter [tilespmem:s21], [sflag:$0x1], $0x800, s30, s29, $0x38;
	[tilespmem:$0xFA00] =	vst v63  }
0x13d: {  	s5 =	sadd.s32 $0x480, s0  }
0x13e: {  	[hbm4b:s5+s29] =	stream.strided.scatter [tilespmem:s22], [sflag:$0x1], $0x800, s30, s29, $0x38;
	[tilespmem:$0xFA00] =	vst v63  }
0x13f: {  	s6 =	sadd.s32 $0x500, s0  }
0x140: {  	[hbm4b:s6+s29] =	stream.strided.scatter [tilespmem:s23], [sflag:$0x1], $0x800, s30, s29, $0x38;
	[tilespmem:$0xFA00] =	vst v63  }
0x141: {  	s8 =	sadd.s32 $0x580, s0  }
0x142: {  	[hbm4b:s8+s29] =	stream.strided.scatter [tilespmem:s24], [sflag:$0x1], $0x800, s30, s29, $0x38;
	[tilespmem:$0xFA00] =	vst v63  }
0x143: {  	s9 =	sadd.s32 $0x600, s0  }
0x144: {  	[hbm4b:s9+s29] =	stream.strided.scatter [tilespmem:s25], [sflag:$0x1], $0x800, s30, s29, $0x38;
	[tilespmem:$0xFA00] =	vst v63  }
0x145: {  	s0 =	sadd.s32 $0x680, s0;
	s11 =	rddreg [dreg:$0x4]  }
0x146: {  	[hbm4b:s0+s11] =	stream.strided.scatter [tilespmem:s26], [sflag:$0x1], $0x3800, s30, s11, $0x38;
	[tilespmem:$0xFA00] =	vst v63  }
0x147: {  	_ =	swait.ge [sflag:s28], $0x800  }
0x148: {  	[sflag:s28] =	ssyncset.done $0x0  }
0x149: {  	[sflag:s28] =	ssyncadd.s32 $0xFFFFF800  }
0x14a: {  	_ =	swait.ge [sflag:s28], $0x800  }
0x14b: {  	[sflag:s28] =	ssyncset.done $0x0  }
0x14c: {  	[sflag:s28] =	ssyncadd.s32 $0xFFFFF800  }
0x14d: {  	_ =	swait.ge [sflag:s28], $0x800  }
0x14e: {  	[sflag:s28] =	ssyncset.done $0x0  }
0x14f: {  	[sflag:s28] =	ssyncadd.s32 $0xFFFFF800  }
0x150: {  	_ =	swait.ge [sflag:s28], $0x800  }
0x151: {  	[sflag:s28] =	ssyncset.done $0x0  }
0x152: {  	[sflag:s28] =	ssyncadd.s32 $0xFFFFF800  }
0x153: {  	_ =	swait.ge [sflag:s28], $0x800  }
0x154: {  	[sflag:s28] =	ssyncset.done $0x0  }
0x155: {  	[sflag:s28] =	ssyncadd.s32 $0xFFFFF800  }
0x156: {  	_ =	swait.ge [sflag:s28], $0x800  }
0x157: {  	[sflag:s28] =	ssyncset.done $0x0  }
0x158: {  	[sflag:s28] =	ssyncadd.s32 $0xFFFFF800  }
0x159: {  	_ =	swait.ge [sflag:s28], $0x800  }
0x15a: {  	[sflag:s28] =	ssyncset.done $0x0  }
0x15b: {  	[sflag:s28] =	ssyncadd.s32 $0xFFFFF800  }
0x15c: {  	_ =	swait.ge [sflag:s28], $0x800  }
0x15d: {  	[sflag:s28] =	ssyncset.done $0x0  }
0x15e: {  	[sflag:s28] =	ssyncadd.s32 $0xFFFFF800  }
0x15f: {  	_ =	swait.ge [sflag:s28], $0x800  }
0x160: {  	[sflag:s28] =	ssyncset.done $0x0  }
0x161: {  	[sflag:s28] =	ssyncadd.s32 $0xFFFFF800  }
0x162: {  	_ =	swait.ge [sflag:s28], $0x800  }
0x163: {  	[sflag:s28] =	ssyncset.done $0x0  }
0x164: {  	[sflag:s28] =	ssyncadd.s32 $0xFFFFF800  }
0x165: {  	_ =	swait.ge [sflag:s28], $0x800  }
0x166: {  	[sflag:s28] =	ssyncset.done $0x0  }
0x167: {  	[sflag:s28] =	ssyncadd.s32 $0xFFFFF800  }
0x168: {  	_ =	swait.ge [sflag:s28], $0x800  }
0x169: {  	[sflag:s28] =	ssyncset.done $0x0  }
0x16a: {  	[sflag:s28] =	ssyncadd.s32 $0xFFFFF800  }
0x16b: {  	_ =	swait.ge [sflag:s28], $0x800  }
0x16c: {  	[sflag:s28] =	ssyncset.done $0x0  }
0x16d: {  	[sflag:s28] =	ssyncadd.s32 $0xFFFFF800  }
0x16e: {  	s1 =	simm.s32 $0x1400;
	_ =	swait.ge [sflag:s28], $0x3800  }
0x16f: {  	s8 =	simm.s32 $0x2800;
	s0 =	simm.s32 $0x5810;
	[sflag:s28] =	ssyncset.done $0x0  }
.LBB2_4:
0x170: {  	s4 =	sadd.s32 $0xFFFFE800, s0;
	[sflag:s28] =	ssyncadd.s32 $0xFFFFC800  }
0x171: {  	[tilespmem:s13], [sflag:$0x1] =	stream.indirect.gather [hbm4b:s3+s12], $0x80, s4, s12, $0xb8;
	[tilespmem:$0xFA00] =	vst v63  }
0x172: {  	s6 =	sadd.s32 $0xFFFFEA00, s0  }
0x173: {  	[tilespmem:s14], [sflag:$0x1] =	stream.indirect.gather [hbm4b:s3+s12], $0x80, s6, s12, $0xb8;
	[tilespmem:$0xFA00] =	vst v63  }
0x174: {  	s9 =	sadd.s32 $0xFFFFEC00, s0  }
0x175: {  	[tilespmem:s15], [sflag:$0x1] =	stream.indirect.gather [hbm4b:s3+s12], $0x80, s9, s12, $0xb8;
	[tilespmem:$0xFA00] =	vst v63  }
0x176: {  	s11 =	sadd.s32 $0xFFFFEE00, s0  }
0x177: {  	[tilespmem:s16], [sflag:$0x1] =	stream.indirect.gather [hbm4b:s3+s12], $0x80, s11, s12, $0xb8;
	[tilespmem:$0xFA00] =	vst v63  }
0x178: {  	s6 =	sadd.s32 $0xFFFFF000, s0  }
0x179: {  	[tilespmem:s17], [sflag:$0x1] =	stream.indirect.gather [hbm4b:s3+s12], $0x80, s6, s12, $0xb8;
	[tilespmem:$0xFA00] =	vst v63  }
0x17a: {  	s9 =	sadd.s32 $0xFFFFF200, s0  }
0x17b: {  	[tilespmem:s18], [sflag:$0x1] =	stream.indirect.gather [hbm4b:s3+s12], $0x80, s9, s12, $0xb8;
	[tilespmem:$0xFA00] =	vst v63  }
0x17c: {  	s11 =	sadd.s32 $0xFFFFF400, s0  }
0x17d: {  	[tilespmem:s19], [sflag:$0x1] =	stream.indirect.gather [hbm4b:s3+s12], $0x80, s11, s12, $0xb8;
	[tilespmem:$0xFA00] =	vst v63  }
0x17e: {  	s6 =	sadd.s32 $0xFFFFF600, s0  }
0x17f: {  	[tilespmem:s20], [sflag:$0x1] =	stream.indirect.gather [hbm4b:s3+s12], $0x80, s6, s12, $0xb8;
	[tilespmem:$0xFA00] =	vst v63  }
0x180: {  	s9 =	sadd.s32 $0xFFFFF800, s0  }
0x181: {  	[tilespmem:s21], [sflag:$0x1] =	stream.indirect.gather [hbm4b:s3+s12], $0x80, s9, s12, $0xb8;
	[tilespmem:$0xFA00] =	vst v63  }
0x182: {  	s11 =	sadd.s32 $0xFFFFFA00, s0  }
0x183: {  	[tilespmem:s22], [sflag:$0x1] =	stream.indirect.gather [hbm4b:s3+s12], $0x80, s11, s12, $0xb8;
	[tilespmem:$0xFA00] =	vst v63  }
0x184: {  	s6 =	sadd.s32 $0xFFFFFC00, s0  }
0x185: {  	[tilespmem:s23], [sflag:$0x1] =	stream.indirect.gather [hbm4b:s3+s12], $0x80, s6, s12, $0xb8;
	[tilespmem:$0xFA00] =	vst v63  }
0x186: {  	s9 =	sadd.s32 $0xFFFFFE00, s0  }
0x187: {  	[tilespmem:s24], [sflag:$0x1] =	stream.indirect.gather [hbm4b:s3+s12], $0x80, s9, s12, $0xb8;
	[tilespmem:$0xFA00] =	vst v63  }
0x188: {  	_ = 	snop  }
0x189: {  	[tilespmem:s25], [sflag:$0x1] =	stream.indirect.gather [hbm4b:s3+s12], $0x80, s0, s12, $0xb8;
	[tilespmem:$0xFA00] =	vst v63  }
0x18a: {  	s7 =	sadd.s32 $0x700, s7  }
0x18b: {  	[tilespmem:s26], [sflag:$0x1] =	stream.linear.gather [hbm4b:s7+s2], $0x3800, $0x38;
	[tilespmem:$0xFA00] =	vst v63  }
0x18c: {  	_ =	swait.ge [sflag:s28], $0x800  }
0x18d: {  	[sflag:s28] =	ssyncset.done $0x0  }
0x18e: {  	[sflag:s28] =	ssyncadd.s32 $0xFFFFF800  }
0x18f: {  	_ =	swait.ge [sflag:s28], $0x800  }
0x190: {  	[sflag:s28] =	ssyncset.done $0x0  }
0x191: {  	[sflag:s28] =	ssyncadd.s32 $0xFFFFF800  }
0x192: {  	_ =	swait.ge [sflag:s28], $0x800  }
0x193: {  	[sflag:s28] =	ssyncset.done $0x0  }
0x194: {  	[sflag:s28] =	ssyncadd.s32 $0xFFFFF800  }
0x195: {  	_ =	swait.ge [sflag:s28], $0x800  }
0x196: {  	[sflag:s28] =	ssyncset.done $0x0  }
0x197: {  	[sflag:s28] =	ssyncadd.s32 $0xFFFFF800  }
0x198: {  	_ =	swait.ge [sflag:s28], $0x800  }
0x199: {  	[sflag:s28] =	ssyncset.done $0x0  }
0x19a: {  	[sflag:s28] =	ssyncadd.s32 $0xFFFFF800  }
0x19b: {  	_ =	swait.ge [sflag:s28], $0x800  }
0x19c: {  	[sflag:s28] =	ssyncset.done $0x0  }
0x19d: {  	[sflag:s28] =	ssyncadd.s32 $0xFFFFF800  }
0x19e: {  	_ =	swait.ge [sflag:s28], $0x800  }
0x19f: {  	[sflag:s28] =	ssyncset.done $0x0  }
0x1a0: {  	[sflag:s28] =	ssyncadd.s32 $0xFFFFF800  }
0x1a1: {  	_ =	swait.ge [sflag:s28], $0x800  }
0x1a2: {  	[sflag:s28] =	ssyncset.done $0x0  }
0x1a3: {  	[sflag:s28] =	ssyncadd.s32 $0xFFFFF800  }
0x1a4: {  	_ =	swait.ge [sflag:s28], $0x800  }
0x1a5: {  	[sflag:s28] =	ssyncset.done $0x0  }
0x1a6: {  	[sflag:s28] =	ssyncadd.s32 $0xFFFFF800  }
0x1a7: {  	_ =	swait.ge [sflag:s28], $0x800  }
0x1a8: {  	[sflag:s28] =	ssyncset.done $0x0  }
0x1a9: {  	[sflag:s28] =	ssyncadd.s32 $0xFFFFF800  }
0x1aa: {  	_ =	swait.ge [sflag:s28], $0x800  }
0x1ab: {  	[sflag:s28] =	ssyncset.done $0x0  }
0x1ac: {  	[sflag:s28] =	ssyncadd.s32 $0xFFFFF800  }
0x1ad: {  	_ =	swait.ge [sflag:s28], $0x800  }
0x1ae: {  	[sflag:s28] =	ssyncset.done $0x0  }
0x1af: {  	[sflag:s28] =	ssyncadd.s32 $0xFFFFF800  }
0x1b0: {  	_ =	swait.ge [sflag:s28], $0x800  }
0x1b1: {  	[sflag:s28] =	ssyncset.done $0x0  }
0x1b2: {  	[sflag:s28] =	ssyncadd.s32 $0xFFFFF800  }
0x1b3: {  	_ =	swait.ge [sflag:s28], $0x3800  }
0x1b4: {  	s11 =	rddreg [dreg:$0x3];
	[sflag:s28] =	ssyncset.done $0x0  }
0x1b5: {  	[sflag:s28] =	ssyncadd.s32 $0xFFFFC800;
	s4 =	sadd.s32 s1, s11  }
0x1b6: {  	[hbm4b:s4+s29] =	stream.strided.scatter [tilespmem:s13], [sflag:$0x1], $0x800, s30, s29, $0x38;
	[tilespmem:$0xFA00] =	vst v63  }
0x1b7: {  	s6 =	sadd.s32 $0x80, s4  }
0x1b8: {  	[hbm4b:s6+s29] =	stream.strided.scatter [tilespmem:s14], [sflag:$0x1], $0x800, s30, s29, $0x38;
	[tilespmem:$0xFA00] =	vst v63  }
0x1b9: {  	s9 =	sadd.s32 $0x100, s4  }
0x1ba: {  	[hbm4b:s9+s29] =	stream.strided.scatter [tilespmem:s15], [sflag:$0x1], $0x800, s30, s29, $0x38;
	[tilespmem:$0xFA00] =	vst v63  }
0x1bb: {  	s11 =	sadd.s32 $0x180, s4  }
0x1bc: {  	[hbm4b:s11+s29] =	stream.strided.scatter [tilespmem:s16], [sflag:$0x1], $0x800, s30, s29, $0x38;
	[tilespmem:$0xFA00] =	vst v63  }
0x1bd: {  	s6 =	sadd.s32 $0x200, s4  }
0x1be: {  	[hbm4b:s6+s29] =	stream.strided.scatter [tilespmem:s17], [sflag:$0x1], $0x800, s30, s29, $0x38;
	[tilespmem:$0xFA00] =	vst v63  }
0x1bf: {  	s9 =	sadd.s32 $0x280, s4  }
0x1c0: {  	[hbm4b:s9+s29] =	stream.strided.scatter [tilespmem:s18], [sflag:$0x1], $0x800, s30, s29, $0x38;
	[tilespmem:$0xFA00] =	vst v63  }
0x1c1: {  	s11 =	sadd.s32 $0x300, s4  }
0x1c2: {  	[hbm4b:s11+s29] =	stream.strided.scatter [tilespmem:s19], [sflag:$0x1], $0x800, s30, s29, $0x38;
	[tilespmem:$0xFA00] =	vst v63  }
0x1c3: {  	s6 =	sadd.s32 $0x380, s4  }
0x1c4: {  	[hbm4b:s6+s29] =	stream.strided.scatter [tilespmem:s20], [sflag:$0x1], $0x800, s30, s29, $0x38;
	[tilespmem:$0xFA00] =	vst v63  }
0x1c5: {  	s9 =	sadd.s32 $0x400, s4  }
0x1c6: {  	[hbm4b:s9+s29] =	stream.strided.scatter [tilespmem:s21], [sflag:$0x1], $0x800, s30, s29, $0x38;
	[tilespmem:$0xFA00] =	vst v63  }
0x1c7: {  	s11 =	sadd.s32 $0x480, s4  }
0x1c8: {  	[hbm4b:s11+s29] =	stream.strided.scatter [tilespmem:s22], [sflag:$0x1], $0x800, s30, s29, $0x38;
	[tilespmem:$0xFA00] =	vst v63  }
0x1c9: {  	s6 =	sadd.s32 $0x500, s4  }
0x1ca: {  	[hbm4b:s6+s29] =	stream.strided.scatter [tilespmem:s23], [sflag:$0x1], $0x800, s30, s29, $0x38;
	[tilespmem:$0xFA00] =	vst v63  }
0x1cb: {  	s9 =	sadd.s32 $0x580, s4  }
0x1cc: {  	[hbm4b:s9+s29] =	stream.strided.scatter [tilespmem:s24], [sflag:$0x1], $0x800, s30, s29, $0x38;
	[tilespmem:$0xFA00] =	vst v63  }
0x1cd: {  	s11 =	sadd.s32 $0x600, s4  }
0x1ce: {  	[hbm4b:s11+s29] =	stream.strided.scatter [tilespmem:s25], [sflag:$0x1], $0x800, s30, s29, $0x38;
	[tilespmem:$0xFA00] =	vst v63  }
0x1cf: {  	s4 =	sadd.s32 $0x680, s4;
	s6 =	rddreg [dreg:$0x4]  }
0x1d0: {  	[hbm4b:s4+s6] =	stream.strided.scatter [tilespmem:s26], [sflag:$0x1], $0x3800, s30, s6, $0x38;
	[tilespmem:$0xFA00] =	vst v63  }
0x1d1: {  	_ =	swait.ge [sflag:s28], $0x800  }
0x1d2: {  	[sflag:s28] =	ssyncset.done $0x0  }
0x1d3: {  	[sflag:s28] =	ssyncadd.s32 $0xFFFFF800  }
0x1d4: {  	_ =	swait.ge [sflag:s28], $0x800  }
0x1d5: {  	[sflag:s28] =	ssyncset.done $0x0  }
0x1d6: {  	[sflag:s28] =	ssyncadd.s32 $0xFFFFF800  }
0x1d7: {  	_ =	swait.ge [sflag:s28], $0x800  }
0x1d8: {  	[sflag:s28] =	ssyncset.done $0x0  }
0x1d9: {  	[sflag:s28] =	ssyncadd.s32 $0xFFFFF800  }
0x1da: {  	_ =	swait.ge [sflag:s28], $0x800  }
0x1db: {  	[sflag:s28] =	ssyncset.done $0x0  }
0x1dc: {  	[sflag:s28] =	ssyncadd.s32 $0xFFFFF800  }
0x1dd: {  	_ =	swait.ge [sflag:s28], $0x800  }
0x1de: {  	[sflag:s28] =	ssyncset.done $0x0  }
0x1df: {  	[sflag:s28] =	ssyncadd.s32 $0xFFFFF800  }
0x1e0: {  	_ =	swait.ge [sflag:s28], $0x800  }
0x1e1: {  	[sflag:s28] =	ssyncset.done $0x0  }
0x1e2: {  	[sflag:s28] =	ssyncadd.s32 $0xFFFFF800  }
0x1e3: {  	_ =	swait.ge [sflag:s28], $0x800  }
0x1e4: {  	[sflag:s28] =	ssyncset.done $0x0  }
0x1e5: {  	[sflag:s28] =	ssyncadd.s32 $0xFFFFF800  }
0x1e6: {  	_ =	swait.ge [sflag:s28], $0x800  }
0x1e7: {  	[sflag:s28] =	ssyncset.done $0x0  }
0x1e8: {  	[sflag:s28] =	ssyncadd.s32 $0xFFFFF800  }
0x1e9: {  	_ =	swait.ge [sflag:s28], $0x800  }
0x1ea: {  	[sflag:s28] =	ssyncset.done $0x0  }
0x1eb: {  	[sflag:s28] =	ssyncadd.s32 $0xFFFFF800  }
0x1ec: {  	_ =	swait.ge [sflag:s28], $0x800  }
0x1ed: {  	[sflag:s28] =	ssyncset.done $0x0  }
0x1ee: {  	[sflag:s28] =	ssyncadd.s32 $0xFFFFF800  }
0x1ef: {  	_ =	swait.ge [sflag:s28], $0x800  }
0x1f0: {  	[sflag:s28] =	ssyncset.done $0x0  }
0x1f1: {  	[sflag:s28] =	ssyncadd.s32 $0xFFFFF800  }
0x1f2: {  	_ =	swait.ge [sflag:s28], $0x800  }
0x1f3: {  	[sflag:s28] =	ssyncset.done $0x0  }
0x1f4: {  	p0 =	sne.s32 s8, $0x26C00;
	[sflag:s28] =	ssyncadd.s32 $0xFFFFF800  }
.Ltmp1:
0x1f5: {  	_ =	swait.ge [sflag:s28], $0x800;
	(pc) =	sbr.rel @p0 .LBB2_4-.Ltmp1, $4  }
0x1f6: {  	[sflag:s28] =	ssyncset.done $0x0  }
0x1f7: {  	[sflag:s28] =	ssyncadd.s32 $0xFFFFF800  }
0x1f8: {  	s5 =	smov.u32 s8;
	s8 =	sadd.s32 $0x1400, s8;
	_ =	swait.ge [sflag:s28], $0x3800  }
0x1f9: {  	s0 =	sadd.s32 $0x10, s0;
	s1 =	smov.u32 s5;
	[sflag:s28] =	ssyncset.done $0x0  }
0x1fa: {  	s4 =	sadd.s32 $0xFFFFE800, s0;
	[sflag:s28] =	ssyncadd.s32 $0xFFFFC800  }
0x1fb: {  	[tilespmem:s13], [sflag:$0x1] =	stream.indirect.gather [hbm4b:s3+s12], $0x80, s4, s12, $0xb8;
	[tilespmem:$0xFA00] =	vst v63  }
0x1fc: {  	s9 =	sadd.s32 $0xFFFFEA00, s0  }
0x1fd: {  	[tilespmem:s14], [sflag:$0x1] =	stream.indirect.gather [hbm4b:s3+s12], $0x80, s9, s12, $0xb8;
	[tilespmem:$0xFA00] =	vst v63  }
0x1fe: {  	s11 =	sadd.s32 $0xFFFFEC00, s0  }
0x1ff: {  	[tilespmem:s15], [sflag:$0x1] =	stream.indirect.gather [hbm4b:s3+s12], $0x80, s11, s12, $0xb8;
	[tilespmem:$0xFA00] =	vst v63  }
0x200: {  	s5 =	sadd.s32 $0xFFFFEE00, s0  }
0x201: {  	[tilespmem:s16], [sflag:$0x1] =	stream.indirect.gather [hbm4b:s3+s12], $0x80, s5, s12, $0xb8;
	[tilespmem:$0xFA00] =	vst v63  }
0x202: {  	s6 =	sadd.s32 $0xFFFFF000, s0  }
0x203: {  	[tilespmem:s17], [sflag:$0x1] =	stream.indirect.gather [hbm4b:s3+s12], $0x80, s6, s12, $0xb8;
	[tilespmem:$0xFA00] =	vst v63  }
0x204: {  	s8 =	sadd.s32 $0xFFFFF200, s0  }
0x205: {  	[tilespmem:s18], [sflag:$0x1] =	stream.indirect.gather [hbm4b:s3+s12], $0x80, s8, s12, $0xb8;
	[tilespmem:$0xFA00] =	vst v63  }
0x206: {  	s9 =	sadd.s32 $0xFFFFF400, s0  }
0x207: {  	[tilespmem:s19], [sflag:$0x1] =	stream.indirect.gather [hbm4b:s3+s12], $0x80, s9, s12, $0xb8;
	[tilespmem:$0xFA00] =	vst v63  }
0x208: {  	s11 =	sadd.s32 $0xFFFFF600, s0  }
0x209: {  	[tilespmem:s20], [sflag:$0x1] =	stream.indirect.gather [hbm4b:s3+s12], $0x80, s11, s12, $0xb8;
	[tilespmem:$0xFA00] =	vst v63  }
0x20a: {  	s5 =	sadd.s32 $0xFFFFF800, s0  }
0x20b: {  	[tilespmem:s21], [sflag:$0x1] =	stream.indirect.gather [hbm4b:s3+s12], $0x80, s5, s12, $0xb8;
	[tilespmem:$0xFA00] =	vst v63  }
0x20c: {  	s6 =	sadd.s32 $0xFFFFFA00, s0  }
0x20d: {  	[tilespmem:s22], [sflag:$0x1] =	stream.indirect.gather [hbm4b:s3+s12], $0x80, s6, s12, $0xb8;
	[tilespmem:$0xFA00] =	vst v63  }
0x20e: {  	s8 =	sadd.s32 $0xFFFFFC00, s0  }
0x20f: {  	[tilespmem:s23], [sflag:$0x1] =	stream.indirect.gather [hbm4b:s3+s12], $0x80, s8, s12, $0xb8;
	[tilespmem:$0xFA00] =	vst v63  }
0x210: {  	s9 =	sadd.s32 $0xFFFFFE00, s0  }
0x211: {  	[tilespmem:s24], [sflag:$0x1] =	stream.indirect.gather [hbm4b:s3+s12], $0x80, s9, s12, $0xb8;
	[tilespmem:$0xFA00] =	vst v63  }
0x212: {  	_ = 	snop  }
0x213: {  	[tilespmem:s25], [sflag:$0x1] =	stream.indirect.gather [hbm4b:s3+s12], $0x80, s0, s12, $0xb8;
	[tilespmem:$0xFA00] =	vst v63  }
0x214: {  	s11 =	sadd.s32 $0x700, s7  }
0x215: {  	[tilespmem:s26], [sflag:$0x1] =	stream.linear.gather [hbm4b:s11+s2], $0x3800, $0x38;
	[tilespmem:$0xFA00] =	vst v63  }
0x216: {  	_ =	swait.ge [sflag:s28], $0x800  }
0x217: {  	[sflag:s28] =	ssyncset.done $0x0  }
0x218: {  	[sflag:s28] =	ssyncadd.s32 $0xFFFFF800  }
0x219: {  	_ =	swait.ge [sflag:s28], $0x800  }
0x21a: {  	[sflag:s28] =	ssyncset.done $0x0  }
0x21b: {  	[sflag:s28] =	ssyncadd.s32 $0xFFFFF800  }
0x21c: {  	_ =	swait.ge [sflag:s28], $0x800  }
0x21d: {  	[sflag:s28] =	ssyncset.done $0x0  }
0x21e: {  	[sflag:s28] =	ssyncadd.s32 $0xFFFFF800  }
0x21f: {  	_ =	swait.ge [sflag:s28], $0x800  }
0x220: {  	[sflag:s28] =	ssyncset.done $0x0  }
0x221: {  	[sflag:s28] =	ssyncadd.s32 $0xFFFFF800  }
0x222: {  	_ =	swait.ge [sflag:s28], $0x800  }
0x223: {  	[sflag:s28] =	ssyncset.done $0x0  }
0x224: {  	[sflag:s28] =	ssyncadd.s32 $0xFFFFF800  }
0x225: {  	_ =	swait.ge [sflag:s28], $0x800  }
0x226: {  	[sflag:s28] =	ssyncset.done $0x0  }
0x227: {  	[sflag:s28] =	ssyncadd.s32 $0xFFFFF800  }
0x228: {  	_ =	swait.ge [sflag:s28], $0x800  }
0x229: {  	[sflag:s28] =	ssyncset.done $0x0  }
0x22a: {  	[sflag:s28] =	ssyncadd.s32 $0xFFFFF800  }
0x22b: {  	_ =	swait.ge [sflag:s28], $0x800  }
0x22c: {  	[sflag:s28] =	ssyncset.done $0x0  }
0x22d: {  	[sflag:s28] =	ssyncadd.s32 $0xFFFFF800  }
0x22e: {  	_ =	swait.ge [sflag:s28], $0x800  }
0x22f: {  	[sflag:s28] =	ssyncset.done $0x0  }
0x230: {  	[sflag:s28] =	ssyncadd.s32 $0xFFFFF800  }
0x231: {  	_ =	swait.ge [sflag:s28], $0x800  }
0x232: {  	[sflag:s28] =	ssyncset.done $0x0  }
0x233: {  	[sflag:s28] =	ssyncadd.s32 $0xFFFFF800  }
0x234: {  	_ =	swait.ge [sflag:s28], $0x800  }
0x235: {  	[sflag:s28] =	ssyncset.done $0x0  }
0x236: {  	[sflag:s28] =	ssyncadd.s32 $0xFFFFF800  }
0x237: {  	_ =	swait.ge [sflag:s28], $0x800  }
0x238: {  	[sflag:s28] =	ssyncset.done $0x0  }
0x239: {  	[sflag:s28] =	ssyncadd.s32 $0xFFFFF800  }
0x23a: {  	_ =	swait.ge [sflag:s28], $0x800  }
0x23b: {  	[sflag:s28] =	ssyncset.done $0x0  }
0x23c: {  	[sflag:s28] =	ssyncadd.s32 $0xFFFFF800  }
0x23d: {  	_ =	swait.ge [sflag:s28], $0x3800  }
0x23e: {  	s4 =	rddreg [dreg:$0x3];
	[sflag:s28] =	ssyncset.done $0x0  }
0x23f: {  	[sflag:s28] =	ssyncadd.s32 $0xFFFFC800;
	s0 =	sadd.s32 s1, s4  }
0x240: {  	[hbm4b:s0+s29] =	stream.strided.scatter [tilespmem:s13], [sflag:$0x1], $0x800, s30, s29, $0x38;
	[tilespmem:$0xFA00] =	vst v63  }
0x241: {  	s1 =	sadd.s32 $0x80, s0  }
0x242: {  	[hbm4b:s1+s29] =	stream.strided.scatter [tilespmem:s14], [sflag:$0x1], $0x800, s30, s29, $0x38;
	[tilespmem:$0xFA00] =	vst v63  }
0x243: {  	s5 =	sadd.s32 $0x100, s0  }
0x244: {  	[hbm4b:s5+s29] =	stream.strided.scatter [tilespmem:s15], [sflag:$0x1], $0x800, s30, s29, $0x38;
	[tilespmem:$0xFA00] =	vst v63  }
0x245: {  	s6 =	sadd.s32 $0x180, s0  }
0x246: {  	[hbm4b:s6+s29] =	stream.strided.scatter [tilespmem:s16], [sflag:$0x1], $0x800, s30, s29, $0x38;
	[tilespmem:$0xFA00] =	vst v63  }
0x247: {  	s7 =	sadd.s32 $0x200, s0  }
0x248: {  	[hbm4b:s7+s29] =	stream.strided.scatter [tilespmem:s17], [sflag:$0x1], $0x800, s30, s29, $0x38;
	[tilespmem:$0xFA00] =	vst v63  }
0x249: {  	s8 =	sadd.s32 $0x280, s0  }
0x24a: {  	[hbm4b:s8+s29] =	stream.strided.scatter [tilespmem:s18], [sflag:$0x1], $0x800, s30, s29, $0x38;
	[tilespmem:$0xFA00] =	vst v63  }
0x24b: {  	s9 =	sadd.s32 $0x300, s0  }
0x24c: {  	[hbm4b:s9+s29] =	stream.strided.scatter [tilespmem:s19], [sflag:$0x1], $0x800, s30, s29, $0x38;
	[tilespmem:$0xFA00] =	vst v63  }
0x24d: {  	s11 =	sadd.s32 $0x380, s0  }
0x24e: {  	[hbm4b:s11+s29] =	stream.strided.scatter [tilespmem:s20], [sflag:$0x1], $0x800, s30, s29, $0x38;
	[tilespmem:$0xFA00] =	vst v63  }
0x24f: {  	s4 =	sadd.s32 $0x400, s0  }
0x250: {  	[hbm4b:s4+s29] =	stream.strided.scatter [tilespmem:s21], [sflag:$0x1], $0x800, s30, s29, $0x38;
	[tilespmem:$0xFA00] =	vst v63  }
0x251: {  	s5 =	sadd.s32 $0x480, s0  }
0x252: {  	[hbm4b:s5+s29] =	stream.strided.scatter [tilespmem:s22], [sflag:$0x1], $0x800, s30, s29, $0x38;
	[tilespmem:$0xFA00] =	vst v63  }
0x253: {  	s6 =	sadd.s32 $0x500, s0  }
0x254: {  	[hbm4b:s6+s29] =	stream.strided.scatter [tilespmem:s23], [sflag:$0x1], $0x800, s30, s29, $0x38;
	[tilespmem:$0xFA00] =	vst v63  }
0x255: {  	s7 =	sadd.s32 $0x580, s0  }
0x256: {  	[hbm4b:s7+s29] =	stream.strided.scatter [tilespmem:s24], [sflag:$0x1], $0x800, s30, s29, $0x38;
	[tilespmem:$0xFA00] =	vst v63  }
0x257: {  	s8 =	sadd.s32 $0x600, s0  }
0x258: {  	[hbm4b:s8+s29] =	stream.strided.scatter [tilespmem:s25], [sflag:$0x1], $0x800, s30, s29, $0x38;
	[tilespmem:$0xFA00] =	vst v63  }
0x259: {  	s0 =	sadd.s32 $0x680, s0;
	s9 =	rddreg [dreg:$0x4]  }
0x25a: {  	[hbm4b:s0+s9] =	stream.strided.scatter [tilespmem:s26], [sflag:$0x1], $0x3800, s30, s9, $0x38;
	[tilespmem:$0xFA00] =	vst v63  }
0x25b: {  	_ =	swait.ge [sflag:s28], $0x800  }
0x25c: {  	[sflag:s28] =	ssyncset.done $0x0  }
0x25d: {  	[sflag:s28] =	ssyncadd.s32 $0xFFFFF800  }
0x25e: {  	_ =	swait.ge [sflag:s28], $0x800  }
0x25f: {  	[sflag:s28] =	ssyncset.done $0x0  }
0x260: {  	[sflag:s28] =	ssyncadd.s32 $0xFFFFF800  }
0x261: {  	_ =	swait.ge [sflag:s28], $0x800  }
0x262: {  	[sflag:s28] =	ssyncset.done $0x0  }
0x263: {  	[sflag:s28] =	ssyncadd.s32 $0xFFFFF800  }
0x264: {  	_ =	swait.ge [sflag:s28], $0x800  }
0x265: {  	[sflag:s28] =	ssyncset.done $0x0  }
0x266: {  	[sflag:s28] =	ssyncadd.s32 $0xFFFFF800  }
0x267: {  	_ =	swait.ge [sflag:s28], $0x800  }
0x268: {  	[sflag:s28] =	ssyncset.done $0x0  }
0x269: {  	[sflag:s28] =	ssyncadd.s32 $0xFFFFF800  }
0x26a: {  	_ =	swait.ge [sflag:s28], $0x800  }
0x26b: {  	[sflag:s28] =	ssyncset.done $0x0  }
0x26c: {  	[sflag:s28] =	ssyncadd.s32 $0xFFFFF800  }
0x26d: {  	_ =	swait.ge [sflag:s28], $0x800  }
0x26e: {  	[sflag:s28] =	ssyncset.done $0x0  }
0x26f: {  	[sflag:s28] =	ssyncadd.s32 $0xFFFFF800  }
0x270: {  	_ =	swait.ge [sflag:s28], $0x800  }
0x271: {  	[sflag:s28] =	ssyncset.done $0x0  }
0x272: {  	[sflag:s28] =	ssyncadd.s32 $0xFFFFF800  }
0x273: {  	_ =	swait.ge [sflag:s28], $0x800  }
0x274: {  	[sflag:s28] =	ssyncset.done $0x0  }
0x275: {  	[sflag:s28] =	ssyncadd.s32 $0xFFFFF800  }
0x276: {  	_ =	swait.ge [sflag:s28], $0x800  }
0x277: {  	[sflag:s28] =	ssyncset.done $0x0  }
0x278: {  	[sflag:s28] =	ssyncadd.s32 $0xFFFFF800  }
0x279: {  	_ =	swait.ge [sflag:s28], $0x800  }
0x27a: {  	[sflag:s28] =	ssyncset.done $0x0  }
0x27b: {  	[sflag:s28] =	ssyncadd.s32 $0xFFFFF800  }
0x27c: {  	_ =	swait.ge [sflag:s28], $0x800  }
0x27d: {  	[sflag:s28] =	ssyncset.done $0x0  }
0x27e: {  	[sflag:s28] =	ssyncadd.s32 $0xFFFFF800  }
0x27f: {  	_ =	swait.ge [sflag:s28], $0x800  }
0x280: {  	[sflag:s28] =	ssyncset.done $0x0  }
0x281: {  	[sflag:s28] =	ssyncadd.s32 $0xFFFFF800  }
0x282: {  	_ =	swait.ge [sflag:s28], $0x3800  }
0x283: {  	s31 =	sadd.s32 $0x1, s31;
	s11 =	rddreg [dreg:$0x7]  }
0x284: {  	p0 =	sne.s32 s31, s11  }
.Ltmp2:
0x285: {  	_ = 	snop;
	(pc) =	sbr.rel @p0 .LBB2_1-.Ltmp2, $3  }
0x286: {  	_ =	sdelay $0x1  }
0x287: {  	[sflag:s28] =	ssyncset.done $0x0  }
0x288: {  	[sflag:s28] =	ssyncadd.s32 $0xFFFFC800  }
0x289: {  	_ =	sfence.sel $0x180000  }
0x28a: {  	[bflag:$0x0] =	sbarrier.arrive $0xFFFF  }
0x28b: {  	_ =	strace $0x90000047  }
0x28c: {  	s0 =	stileid.u32;
	[bflag:$0x2] =	sbarrier.arrive $0xFFFF  }
0x28d: {  	p0 =	sne.s32 s0, $0x0;
	s0 =	rddreg [dreg:$0x2]  }
0x28e: {  	s0 =	sadd.s32 @!p0 $0x100000, s0  }
0x28f: {  	[sflag:s0] =	ssyncadd.tile.s32 @!p0 $0x1;
	_ =	shalt  }
.Lfunc_end2:
_tile_overlayer_lowered:
.L_overlay_start_2:
0x290: {  	(tag) =	ssettag $0x2  }
0x291: {  	s0 =	rddreg [dreg:$0x0];
	s2 =	stileid.u32  }
0x292: {  	s1 =	rddreg [dreg:$0x1];
	p0 =	sne.s32 s2, $0x0  }
0x293: {  	s3 =	rddreg [dreg:$0x2];
	[bflag:$0x3] =	sbarrier.arrive $0xFFFF;
	s2 =	simm.s32 @!p0 $0x1C02  }
0x294: {  	[timem:s3], [sflag:s2] =	dma.local @!p0 [hbm:s0], s1  }
0x295: {  	s0 =	simm.s32 @!p0 $0x2  }
0x296: {  	_ =	swait.ge @!p0 [sflag:s0], s1  }
0x297: {  	s1 =	ssub.s32 @!p0 $0x0, s1;
	[sflag:s0] =	ssyncset.done @!p0 $0x0  }
0x298: {  	[sflag:s0] =	ssyncadd.s32 @!p0 s1  }
0x299: {  	[bflag:$0x3] =	sbarrier.arrive $0xFFFF  }
0x29a: {  	_ =	shalt  }

</sc_bundles>
